<compile_context>
chip_gen: v7x
topology: tpu7x:2x2x1
jax: 0.10.2.dev20260603
libtpu: 0.0.44.dev20260713+nightly
codegen_flags: <defaults>
</compile_context>

<pallas_src>
import functools

import jax
import jax.numpy as jnp
from jax import lax
from jax.experimental import pallas as pl
from jax.experimental.pallas import tpu as pltpu
from jax.experimental.pallas import tpu_sc as plsc

VOCAB = 100000
WORD_DIM = 128
EMBED_SIZE = 512
BATCH = 1024
SEQ = 20


_N_ROWS = BATCH * SEQ
_IDX_CHUNK = 128


def _sc_gather(idx_flat, table):
    info = plsc.get_sparse_core_info()
    nc, ns = info.num_cores, info.num_subcores
    nw = nc * ns
    rows_per_w = _N_ROWS // nw
    assert rows_per_w % _IDX_CHUNK == 0
    n_chunks = rows_per_w // _IDX_CHUNK

    mesh = plsc.VectorSubcoreMesh(core_axis_name="c", subcore_axis_name="s")

    @functools.partial(
        pl.kernel,
        mesh=mesh,
        out_type=jax.ShapeDtypeStruct((_N_ROWS, WORD_DIM), jnp.float32),
        scratch_types=[
            pltpu.VMEM((rows_per_w,), jnp.int32),
            pltpu.VMEM((rows_per_w, WORD_DIM), jnp.float32),
            pltpu.SemaphoreType.DMA,
        ],
    )
    def gather_k(idx_hbm, table_hbm, out_hbm, idx_v, rows_v, sem):
        wid = lax.axis_index("s") * nc + lax.axis_index("c")
        base = wid * rows_per_w
        pltpu.sync_copy(idx_hbm.at[pl.ds(base, rows_per_w)], idx_v)
        copies = []
        for j in range(n_chunks):
            sl = pl.ds(j * _IDX_CHUNK, _IDX_CHUNK)
            copies.append(
                pltpu.async_copy(table_hbm.at[idx_v.at[sl]], rows_v.at[sl], sem)
            )
        for c in copies:
            c.wait()
        pltpu.sync_copy(rows_v, out_hbm.at[pl.ds(base, rows_per_w)])

    return gather_k(idx_flat, table)



_BB = 256


def _gru_block(cap_ref, len_ref, wih_ref, whh_ref, bih_ref, bhh_ref, out_ref):
    cap = cap_ref[...]
    wih = wih_ref[...]
    whh = whh_ref[...]
    bih = bih_ref[...]
    bhh = bhh_ref[...]
    lens = len_ref[...]

    h = jnp.zeros((_BB, EMBED_SIZE), dtype=jnp.float32)
    acc = jnp.full((_BB, EMBED_SIZE), jnp.finfo(jnp.float32).min, jnp.float32)

    dn = (((1,), (1,)), ((), ()))
    H = EMBED_SIZE
    wih_b = wih.astype(jnp.bfloat16)
    whh_b = whh.astype(jnp.bfloat16)
    for t in range(SEQ):
        xt = cap[:, t, :].astype(jnp.bfloat16)
        gi = lax.dot_general(xt, wih_b, dn, preferred_element_type=jnp.float32)
        gi = gi + bih
        gh = lax.dot_general(h.astype(jnp.bfloat16), whh_b, dn,
                             preferred_element_type=jnp.float32)
        gh = gh + bhh
        r = jax.nn.sigmoid(gi[:, :H] + gh[:, :H])
        z = jax.nn.sigmoid(gi[:, H:2 * H] + gh[:, H:2 * H])
        n = jnp.tanh(gi[:, 2 * H:] + r * gh[:, 2 * H:])
        h = (1.0 - z) * n + z * h
        valid = t < lens
        acc = jnp.where(valid, jnp.maximum(acc, h), acc)

    out_ref[...] = acc


def _tc_gru(cap_emb, lengths2d, W_ih, W_hh, b_ih2d, b_hh2d):
    grid = BATCH // _BB
    return pl.pallas_call(
        _gru_block,
        grid=(grid,),
        in_specs=[
            pl.BlockSpec((_BB, SEQ, WORD_DIM), lambda i: (i, 0, 0)),
            pl.BlockSpec((_BB, 1), lambda i: (i, 0)),
            pl.BlockSpec((3 * EMBED_SIZE, WORD_DIM), lambda i: (0, 0)),
            pl.BlockSpec((3 * EMBED_SIZE, EMBED_SIZE), lambda i: (0, 0)),
            pl.BlockSpec((1, 3 * EMBED_SIZE), lambda i: (0, 0)),
            pl.BlockSpec((1, 3 * EMBED_SIZE), lambda i: (0, 0)),
        ],
        out_specs=pl.BlockSpec((_BB, EMBED_SIZE), lambda i: (i, 0)),
        out_shape=jax.ShapeDtypeStruct((BATCH, EMBED_SIZE), jnp.float32),
    )(cap_emb, lengths2d, W_ih, W_hh, b_ih2d, b_hh2d)


def kernel(x, lengths, embed_table, W_ih, W_hh, b_ih, b_hh):
    idx_flat = x.reshape(-1).astype(jnp.int32)
    cap_flat = _sc_gather(idx_flat, embed_table)
    cap_emb = cap_flat.reshape(BATCH, SEQ, WORD_DIM)
    out = _tc_gru(
        cap_emb,
        lengths.reshape(BATCH, 1).astype(jnp.int32),
        W_ih,
        W_hh,
        b_ih.reshape(1, -1),
        b_hh.reshape(1, -1),
    )
    return (out, cap_emb)

# --- scband reference (transcript-rebuilt; emitter-appended) ---
"""Pipeline reference for scband-encoder-text-1606317768967 (READ-ONLY COPY).

The authoritative reference and input builder live on the scoring server;
editing this copy changes nothing except your own understanding.
"""

import jax, jax.numpy as jnp
import numpy as np

VOCAB = 100000
WORD_DIM = 128
EMBED_SIZE = 512
BATCH = 1024
SEQ = 20


def setup_inputs(seed: int = 0) -> dict:
    key = jax.random.key(seed)
    k_x, k_len, k_emb, k_wih, k_whh, k_bih, k_bhh = jax.random.split(key, 7)
    x = jax.random.randint(k_x, (BATCH, SEQ), 0, VOCAB, dtype=jnp.int64 if jax.config.jax_enable_x64 else jnp.int32)
    lengths = jax.random.randint(k_len, (BATCH,), 1, SEQ + 1, dtype=jnp.int64 if jax.config.jax_enable_x64 else jnp.int32)
    embed_table = jax.random.normal(k_emb, (VOCAB, WORD_DIM), dtype=jnp.float32) * 0.05
    s_ih = 1.0 / np.sqrt(EMBED_SIZE)
    W_ih = jax.random.uniform(k_wih, (3 * EMBED_SIZE, WORD_DIM), dtype=jnp.float32, minval=-s_ih, maxval=s_ih)
    W_hh = jax.random.uniform(k_whh, (3 * EMBED_SIZE, EMBED_SIZE), dtype=jnp.float32, minval=-s_ih, maxval=s_ih)
    b_ih = jax.random.uniform(k_bih, (3 * EMBED_SIZE,), dtype=jnp.float32, minval=-s_ih, maxval=s_ih)
    b_hh = jax.random.uniform(k_bhh, (3 * EMBED_SIZE,), dtype=jnp.float32, minval=-s_ih, maxval=s_ih)
    return {"x": x, "lengths": lengths, "embed_table": embed_table, "W_ih": W_ih, "W_hh": W_hh, "b_ih": b_ih, "b_hh": b_hh}


def _gru_scan(cap_emb, W_ih, W_hh, b_ih, b_hh):
    B = cap_emb.shape[0]
    H = W_hh.shape[1]

    def step(h, xt):
        gi = xt @ W_ih.T + b_ih
        gh = h @ W_hh.T + b_hh
        i_r, i_z, i_n = jnp.split(gi, 3, axis=-1)
        h_r, h_z, h_n = jnp.split(gh, 3, axis=-1)
        r = jax.nn.sigmoid(i_r + h_r)
        z = jax.nn.sigmoid(i_z + h_z)
        n = jnp.tanh(i_n + r * h_n)
        h_new = (1.0 - z) * n + z * h
        return h_new, h_new

    h0 = jnp.zeros((B, H), dtype=cap_emb.dtype)
    xs = jnp.transpose(cap_emb, (1, 0, 2))  # [T, B, D]
    _, hs = jax.lax.scan(step, h0, xs)  # [T, B, H]
    return jnp.transpose(hs, (1, 0, 2))  # [B, T, H]


def reference(x, lengths, embed_table, W_ih, W_hh, b_ih, b_hh):
    # Embedding lookup: nn.Embedding(vocab_size, word_dim)
    cap_emb = jnp.take(embed_table, x, axis=0)  # [B, T, word_dim]
    # Maxout RNN: GRU over the padded sequence, then max-pool over valid timesteps
    hs = _gru_scan(cap_emb, W_ih, W_hh, b_ih, b_hh)  # [B, T, H]
    T = cap_emb.shape[1]
    mask = jnp.arange(T)[None, :] < lengths[:, None]  # [B, T]
    neg_inf = jnp.finfo(hs.dtype).min
    masked = jnp.where(mask[:, :, None], hs, neg_inf)
    outputs = jnp.max(masked, axis=1)  # [B, H]
    return (outputs, cap_emb)

if __name__ == "__main__":
    import jax
    _d = setup_inputs()
    print(jax.jit(kernel)(*tuple(_d.values())))

</pallas_src>

<mosaic_0001>
#map = affine_map<(d0, d1) -> (0)>
#map1 = affine_map<(d0, d1) -> (0, 0)>
module attributes {stable_mosaic.version = 14 : i64} {
  func.func @gather_k(%arg0: i32, %arg1: i32, %arg2: memref<20480xi32, #tpu.memory_space<hbm>>, %arg3: memref<100000x128xf32, #tpu.memory_space<hbm>>, %arg4: memref<20480x128xf32, #tpu.memory_space<hbm>>, %arg5: memref<640xi32, #tpu.memory_space<vmem>>, %arg6: memref<640x128xf32, #tpu.memory_space<vmem>>, %arg7: memref<!tpu.dma_semaphore, #tpu.memory_space<semaphore_mem>>) attributes {dimension_semantics = [#tpu.dimension_semantics<core_parallel>, #tpu.dimension_semantics<subcore_parallel>], iteration_bounds = array<i64: 2, 16>, scalar_prefetch = 0 : i64, scratch_operands = 3 : i64, tpu.core_type = #tpu.core_type<sc_vector_subcore>, window_params = [{transform_indices = #map}, {transform_indices = #map1}, {transform_indices = #map1}]} {
    %mul3A = arith.constant 2 : i32
    %mul3A_0 = arith.muli %arg1, %mul3A : i32
    %add3A = arith.addi %mul3A_0, %arg0 : i32
    %mul3A_1 = arith.constant 640 : i32
    %mul3A_2 = arith.muli %add3A, %mul3A_1 : i32
    "tpu.region"() ({
      %run_scoped3A = tpu.sem_alloc : memref<!tpu.dma_semaphore, #tpu.memory_space<semaphore_mem>>
      %dma_start3A_81 = tpu.memref_slice %arg2[%mul3A_2] : memref<20480xi32, #tpu.memory_space<hbm>> -> memref<640xi32, #tpu.memory_space<hbm>>
      %dma_start3A_82 = tpu.memref_slice %arg2[%mul3A_2] : memref<20480xi32, #tpu.memory_space<hbm>> -> memref<640xi32, #tpu.memory_space<hbm>>
      tpu.enqueue_dma source(%dma_start3A_82 : memref<640xi32, #tpu.memory_space<hbm>>) target(%arg5 : memref<640xi32, #tpu.memory_space<vmem>>) target_semaphore(%run_scoped3A : memref<!tpu.dma_semaphore, #tpu.memory_space<semaphore_mem>>)
      %dma_wait3A_83 = tpu.memref_slice %arg2[%mul3A_2] : memref<20480xi32, #tpu.memory_space<hbm>> -> memref<640xi32, #tpu.memory_space<hbm>>
      %dma_wait3A_84 = tpu.memref_slice %arg2[%mul3A_2] : memref<20480xi32, #tpu.memory_space<hbm>> -> memref<640xi32, #tpu.memory_space<hbm>>
      tpu.wait_dma2 semaphore(%run_scoped3A : memref<!tpu.dma_semaphore, #tpu.memory_space<semaphore_mem>>) src(%dma_wait3A_84 : memref<640xi32, #tpu.memory_space<hbm>>) dst(%arg5 : memref<640xi32, #tpu.memory_space<vmem>>)
      tpu.yield
    }) : () -> ()
    %dma_start3A = arith.constant 0 : i32
    %dma_start3A_3 = arith.constant 0 : i32
    %dma_start3A_4 = tpu.memref_slice %arg6[%dma_start3A, %dma_start3A_3] : memref<640x128xf32, #tpu.memory_space<vmem>> -> memref<128x128xf32, #tpu.memory_space<vmem>>
    %dma_start3A_5 = arith.constant 0 : i32
    %dma_start3A_6 = tpu.memref_slice %arg5[%dma_start3A_5] : memref<640xi32, #tpu.memory_space<vmem>> -> memref<128xi32, #tpu.memory_space<vmem>>
    %dma_start3A_7 = arith.constant 0 : i32
    %dma_start3A_8 = arith.constant 0 : i32
    %dma_start3A_9 = tpu.memref_slice %arg3[%dma_start3A_7, %dma_start3A_8] : memref<100000x128xf32, #tpu.memory_space<hbm>> -> memref<100000x128xf32, #tpu.memory_space<hbm>>
    tpu.enqueue_indirect_dma source(%dma_start3A_9 : memref<100000x128xf32, #tpu.memory_space<hbm>>) target(%dma_start3A_4 : memref<128x128xf32, #tpu.memory_space<vmem>>) offsets(%dma_start3A_6 : memref<128xi32, #tpu.memory_space<vmem>>) semaphore(%arg7 : memref<!tpu.dma_semaphore, #tpu.memory_space<semaphore_mem>>)
    %dma_start3A_10 = arith.constant 128 : i32
    %dma_start3A_11 = arith.constant 0 : i32
    %dma_start3A_12 = tpu.memref_slice %arg6[%dma_start3A_10, %dma_start3A_11] : memref<640x128xf32, #tpu.memory_space<vmem>> -> memref<128x128xf32, #tpu.memory_space<vmem>>
    %dma_start3A_13 = arith.constant 128 : i32
    %dma_start3A_14 = tpu.memref_slice %arg5[%dma_start3A_13] : memref<640xi32, #tpu.memory_space<vmem>> -> memref<128xi32, #tpu.memory_space<vmem>>
    %dma_start3A_15 = arith.constant 0 : i32
    %dma_start3A_16 = arith.constant 0 : i32
    %dma_start3A_17 = tpu.memref_slice %arg3[%dma_start3A_15, %dma_start3A_16] : memref<100000x128xf32, #tpu.memory_space<hbm>> -> memref<100000x128xf32, #tpu.memory_space<hbm>>
    tpu.enqueue_indirect_dma source(%dma_start3A_17 : memref<100000x128xf32, #tpu.memory_space<hbm>>) target(%dma_start3A_12 : memref<128x128xf32, #tpu.memory_space<vmem>>) offsets(%dma_start3A_14 : memref<128xi32, #tpu.memory_space<vmem>>) semaphore(%arg7 : memref<!tpu.dma_semaphore, #tpu.memory_space<semaphore_mem>>)
    %dma_start3A_18 = arith.constant 256 : i32
    %dma_start3A_19 = arith.constant 0 : i32
    %dma_start3A_20 = tpu.memref_slice %arg6[%dma_start3A_18, %dma_start3A_19] : memref<640x128xf32, #tpu.memory_space<vmem>> -> memref<128x128xf32, #tpu.memory_space<vmem>>
    %dma_start3A_21 = arith.constant 256 : i32
    %dma_start3A_22 = tpu.memref_slice %arg5[%dma_start3A_21] : memref<640xi32, #tpu.memory_space<vmem>> -> memref<128xi32, #tpu.memory_space<vmem>>
    %dma_start3A_23 = arith.constant 0 : i32
    %dma_start3A_24 = arith.constant 0 : i32
    %dma_start3A_25 = tpu.memref_slice %arg3[%dma_start3A_23, %dma_start3A_24] : memref<100000x128xf32, #tpu.memory_space<hbm>> -> memref<100000x128xf32, #tpu.memory_space<hbm>>
    tpu.enqueue_indirect_dma source(%dma_start3A_25 : memref<100000x128xf32, #tpu.memory_space<hbm>>) target(%dma_start3A_20 : memref<128x128xf32, #tpu.memory_space<vmem>>) offsets(%dma_start3A_22 : memref<128xi32, #tpu.memory_space<vmem>>) semaphore(%arg7 : memref<!tpu.dma_semaphore, #tpu.memory_space<semaphore_mem>>)
    %dma_start3A_26 = arith.constant 384 : i32
    %dma_start3A_27 = arith.constant 0 : i32
    %dma_start3A_28 = tpu.memref_slice %arg6[%dma_start3A_26, %dma_start3A_27] : memref<640x128xf32, #tpu.memory_space<vmem>> -> memref<128x128xf32, #tpu.memory_space<vmem>>
    %dma_start3A_29 = arith.constant 384 : i32
    %dma_start3A_30 = tpu.memref_slice %arg5[%dma_start3A_29] : memref<640xi32, #tpu.memory_space<vmem>> -> memref<128xi32, #tpu.memory_space<vmem>>
    %dma_start3A_31 = arith.constant 0 : i32
    %dma_start3A_32 = arith.constant 0 : i32
    %dma_start3A_33 = tpu.memref_slice %arg3[%dma_start3A_31, %dma_start3A_32] : memref<100000x128xf32, #tpu.memory_space<hbm>> -> memref<100000x128xf32, #tpu.memory_space<hbm>>
    tpu.enqueue_indirect_dma source(%dma_start3A_33 : memref<100000x128xf32, #tpu.memory_space<hbm>>) target(%dma_start3A_28 : memref<128x128xf32, #tpu.memory_space<vmem>>) offsets(%dma_start3A_30 : memref<128xi32, #tpu.memory_space<vmem>>) semaphore(%arg7 : memref<!tpu.dma_semaphore, #tpu.memory_space<semaphore_mem>>)
    %dma_start3A_34 = arith.constant 512 : i32
    %dma_start3A_35 = arith.constant 0 : i32
    %dma_start3A_36 = tpu.memref_slice %arg6[%dma_start3A_34, %dma_start3A_35] : memref<640x128xf32, #tpu.memory_space<vmem>> -> memref<128x128xf32, #tpu.memory_space<vmem>>
    %dma_start3A_37 = arith.constant 512 : i32
    %dma_start3A_38 = tpu.memref_slice %arg5[%dma_start3A_37] : memref<640xi32, #tpu.memory_space<vmem>> -> memref<128xi32, #tpu.memory_space<vmem>>
    %dma_start3A_39 = arith.constant 0 : i32
    %dma_start3A_40 = arith.constant 0 : i32
    %dma_start3A_41 = tpu.memref_slice %arg3[%dma_start3A_39, %dma_start3A_40] : memref<100000x128xf32, #tpu.memory_space<hbm>> -> memref<100000x128xf32, #tpu.memory_space<hbm>>
    tpu.enqueue_indirect_dma source(%dma_start3A_41 : memref<100000x128xf32, #tpu.memory_space<hbm>>) target(%dma_start3A_36 : memref<128x128xf32, #tpu.memory_space<vmem>>) offsets(%dma_start3A_38 : memref<128xi32, #tpu.memory_space<vmem>>) semaphore(%arg7 : memref<!tpu.dma_semaphore, #tpu.memory_space<semaphore_mem>>)
    %dma_wait3A = arith.constant 0 : i32
    %dma_wait3A_42 = arith.constant 0 : i32
    %dma_wait3A_43 = tpu.memref_slice %arg6[%dma_wait3A, %dma_wait3A_42] : memref<640x128xf32, #tpu.memory_space<vmem>> -> memref<128x128xf32, #tpu.memory_space<vmem>>
    %dma_wait3A_44 = arith.constant 0 : i32
    %dma_wait3A_45 = tpu.memref_slice %arg5[%dma_wait3A_44] : memref<640xi32, #tpu.memory_space<vmem>> -> memref<128xi32, #tpu.memory_space<vmem>>
    %dma_wait3A_46 = arith.constant 0 : i32
    %dma_wait3A_47 = arith.constant 0 : i32
    %dma_wait3A_48 = tpu.memref_slice %arg3[%dma_wait3A_46, %dma_wait3A_47] : memref<100000x128xf32, #tpu.memory_space<hbm>> -> memref<100000x128xf32, #tpu.memory_space<hbm>>
    tpu.wait_indirect_dma semaphore(%arg7 : memref<!tpu.dma_semaphore, #tpu.memory_space<semaphore_mem>>) src(%dma_wait3A_48 : memref<100000x128xf32, #tpu.memory_space<hbm>>) dst(%dma_wait3A_43 : memref<128x128xf32, #tpu.memory_space<vmem>>)
    %dma_wait3A_49 = arith.constant 128 : i32
    %dma_wait3A_50 = arith.constant 0 : i32
    %dma_wait3A_51 = tpu.memref_slice %arg6[%dma_wait3A_49, %dma_wait3A_50] : memref<640x128xf32, #tpu.memory_space<vmem>> -> memref<128x128xf32, #tpu.memory_space<vmem>>
    %dma_wait3A_52 = arith.constant 128 : i32
    %dma_wait3A_53 = tpu.memref_slice %arg5[%dma_wait3A_52] : memref<640xi32, #tpu.memory_space<vmem>> -> memref<128xi32, #tpu.memory_space<vmem>>
    %dma_wait3A_54 = arith.constant 0 : i32
    %dma_wait3A_55 = arith.constant 0 : i32
    %dma_wait3A_56 = tpu.memref_slice %arg3[%dma_wait3A_54, %dma_wait3A_55] : memref<100000x128xf32, #tpu.memory_space<hbm>> -> memref<100000x128xf32, #tpu.memory_space<hbm>>
    tpu.wait_indirect_dma semaphore(%arg7 : memref<!tpu.dma_semaphore, #tpu.memory_space<semaphore_mem>>) src(%dma_wait3A_56 : memref<100000x128xf32, #tpu.memory_space<hbm>>) dst(%dma_wait3A_51 : memref<128x128xf32, #tpu.memory_space<vmem>>)
    %dma_wait3A_57 = arith.constant 256 : i32
    %dma_wait3A_58 = arith.constant 0 : i32
    %dma_wait3A_59 = tpu.memref_slice %arg6[%dma_wait3A_57, %dma_wait3A_58] : memref<640x128xf32, #tpu.memory_space<vmem>> -> memref<128x128xf32, #tpu.memory_space<vmem>>
    %dma_wait3A_60 = arith.constant 256 : i32
    %dma_wait3A_61 = tpu.memref_slice %arg5[%dma_wait3A_60] : memref<640xi32, #tpu.memory_space<vmem>> -> memref<128xi32, #tpu.memory_space<vmem>>
    %dma_wait3A_62 = arith.constant 0 : i32
    %dma_wait3A_63 = arith.constant 0 : i32
    %dma_wait3A_64 = tpu.memref_slice %arg3[%dma_wait3A_62, %dma_wait3A_63] : memref<100000x128xf32, #tpu.memory_space<hbm>> -> memref<100000x128xf32, #tpu.memory_space<hbm>>
    tpu.wait_indirect_dma semaphore(%arg7 : memref<!tpu.dma_semaphore, #tpu.memory_space<semaphore_mem>>) src(%dma_wait3A_64 : memref<100000x128xf32, #tpu.memory_space<hbm>>) dst(%dma_wait3A_59 : memref<128x128xf32, #tpu.memory_space<vmem>>)
    %dma_wait3A_65 = arith.constant 384 : i32
    %dma_wait3A_66 = arith.constant 0 : i32
    %dma_wait3A_67 = tpu.memref_slice %arg6[%dma_wait3A_65, %dma_wait3A_66] : memref<640x128xf32, #tpu.memory_space<vmem>> -> memref<128x128xf32, #tpu.memory_space<vmem>>
    %dma_wait3A_68 = arith.constant 384 : i32
    %dma_wait3A_69 = tpu.memref_slice %arg5[%dma_wait3A_68] : memref<640xi32, #tpu.memory_space<vmem>> -> memref<128xi32, #tpu.memory_space<vmem>>
    %dma_wait3A_70 = arith.constant 0 : i32
    %dma_wait3A_71 = arith.constant 0 : i32
    %dma_wait3A_72 = tpu.memref_slice %arg3[%dma_wait3A_70, %dma_wait3A_71] : memref<100000x128xf32, #tpu.memory_space<hbm>> -> memref<100000x128xf32, #tpu.memory_space<hbm>>
    tpu.wait_indirect_dma semaphore(%arg7 : memref<!tpu.dma_semaphore, #tpu.memory_space<semaphore_mem>>) src(%dma_wait3A_72 : memref<100000x128xf32, #tpu.memory_space<hbm>>) dst(%dma_wait3A_67 : memref<128x128xf32, #tpu.memory_space<vmem>>)
    %dma_wait3A_73 = arith.constant 512 : i32
    %dma_wait3A_74 = arith.constant 0 : i32
    %dma_wait3A_75 = tpu.memref_slice %arg6[%dma_wait3A_73, %dma_wait3A_74] : memref<640x128xf32, #tpu.memory_space<vmem>> -> memref<128x128xf32, #tpu.memory_space<vmem>>
    %dma_wait3A_76 = arith.constant 512 : i32
    %dma_wait3A_77 = tpu.memref_slice %arg5[%dma_wait3A_76] : memref<640xi32, #tpu.memory_space<vmem>> -> memref<128xi32, #tpu.memory_space<vmem>>
    %dma_wait3A_78 = arith.constant 0 : i32
    %dma_wait3A_79 = arith.constant 0 : i32
    %dma_wait3A_80 = tpu.memref_slice %arg3[%dma_wait3A_78, %dma_wait3A_79] : memref<100000x128xf32, #tpu.memory_space<hbm>> -> memref<100000x128xf32, #tpu.memory_space<hbm>>
    tpu.wait_indirect_dma semaphore(%arg7 : memref<!tpu.dma_semaphore, #tpu.memory_space<semaphore_mem>>) src(%dma_wait3A_80 : memref<100000x128xf32, #tpu.memory_space<hbm>>) dst(%dma_wait3A_75 : memref<128x128xf32, #tpu.memory_space<vmem>>)
    "tpu.region"() ({
      %run_scoped3A = tpu.sem_alloc : memref<!tpu.dma_semaphore, #tpu.memory_space<semaphore_mem>>
      %dma_start3A_81 = arith.constant 0 : i32
      %dma_start3A_82 = tpu.memref_slice %arg4[%mul3A_2, %dma_start3A_81] : memref<20480x128xf32, #tpu.memory_space<hbm>> -> memref<640x128xf32, #tpu.memory_space<hbm>>
      %dma_start3A_83 = arith.constant 0 : i32
      %dma_start3A_84 = tpu.memref_slice %arg4[%mul3A_2, %dma_start3A_83] : memref<20480x128xf32, #tpu.memory_space<hbm>> -> memref<640x128xf32, #tpu.memory_space<hbm>>
      tpu.enqueue_dma source(%arg6 : memref<640x128xf32, #tpu.memory_space<vmem>>) target(%dma_start3A_84 : memref<640x128xf32, #tpu.memory_space<hbm>>) target_semaphore(%run_scoped3A : memref<!tpu.dma_semaphore, #tpu.memory_space<semaphore_mem>>)
      %dma_wait3A_85 = arith.constant 0 : i32
      %dma_wait3A_86 = tpu.memref_slice %arg4[%mul3A_2, %dma_wait3A_85] : memref<20480x128xf32, #tpu.memory_space<hbm>> -> memref<640x128xf32, #tpu.memory_space<hbm>>
      %dma_wait3A_87 = arith.constant 0 : i32
      %dma_wait3A_88 = tpu.memref_slice %arg4[%mul3A_2, %dma_wait3A_87] : memref<20480x128xf32, #tpu.memory_space<hbm>> -> memref<640x128xf32, #tpu.memory_space<hbm>>
      tpu.wait_dma2 semaphore(%run_scoped3A : memref<!tpu.dma_semaphore, #tpu.memory_space<semaphore_mem>>) src(%arg6 : memref<640x128xf32, #tpu.memory_space<vmem>>) dst(%dma_wait3A_88 : memref<640x128xf32, #tpu.memory_space<hbm>>)
      tpu.yield
    }) : () -> ()
    return
  }
}

module attributes {stable_mosaic.version = 14 : i64} {
  func.func @_gru_block(%arg0: i32, %arg1: memref<256x20x128xf32, #tpu.memory_space<vmem>>, %arg2: memref<256x1xi32, #tpu.memory_space<vmem>>, %arg3: memref<1536x128xf32, #tpu.memory_space<vmem>>, %arg4: memref<1536x512xf32, #tpu.memory_space<vmem>>, %arg5: memref<1x1536xf32, #tpu.memory_space<vmem>>, %arg6: memref<1x1536xf32, #tpu.memory_space<vmem>>, %arg7: memref<256x512xf32, #tpu.memory_space<vmem>>) attributes {dimension_semantics = [#tpu.dimension_semantics<arbitrary>], iteration_bounds = array<i64: 4>, scalar_prefetch = 0 : i64, scratch_operands = 0 : i64, tpu.core_type = #tpu.core_type<tc>, window_params = [{transform_indices = @transform_0, window_bounds = array<i64: 256, 20, 128>}, {transform_indices = @transform_1, window_bounds = array<i64: 256, 1>}, {pipeline_mode = #tpu.pipeline_mode<synchronous>, transform_indices = @transform_2, window_bounds = array<i64: 1536, 128>}, {pipeline_mode = #tpu.pipeline_mode<synchronous>, transform_indices = @transform_3, window_bounds = array<i64: 1536, 512>}, {pipeline_mode = #tpu.pipeline_mode<synchronous>, transform_indices = @transform_4, window_bounds = array<i64: 1, 1536>}, {pipeline_mode = #tpu.pipeline_mode<synchronous>, transform_indices = @transform_5, window_bounds = array<i64: 1, 1536>}, {transform_indices = @transform_6, window_bounds = array<i64: 256, 512>}]} {
    %get3A = arith.constant 0 : index
    %get3A_0 = arith.constant 0 : index
    %get3A_1 = arith.constant 0 : index
    %get3A_2 = vector.load %arg1[%get3A, %get3A_0, %get3A_1] : memref<256x20x128xf32, #tpu.memory_space<vmem>>, vector<256x20x128xf32>
    %get3A_3 = arith.constant 0 : index
    %get3A_4 = arith.constant 0 : index
    %get3A_5 = vector.load %arg3[%get3A_3, %get3A_4] : memref<1536x128xf32, #tpu.memory_space<vmem>>, vector<1536x128xf32>
    %get3A_6 = arith.constant 0 : index
    %get3A_7 = arith.constant 0 : index
    %get3A_8 = vector.load %arg4[%get3A_6, %get3A_7] : memref<1536x512xf32, #tpu.memory_space<vmem>>, vector<1536x512xf32>
    %get3A_9 = arith.constant 0 : index
    %get3A_10 = arith.constant 0 : index
    %get3A_11 = vector.load %arg5[%get3A_9, %get3A_10] : memref<1x1536xf32, #tpu.memory_space<vmem>>, vector<1x1536xf32>
    %get3A_12 = arith.constant 0 : index
    %get3A_13 = arith.constant 0 : index
    %get3A_14 = vector.load %arg6[%get3A_12, %get3A_13] : memref<1x1536xf32, #tpu.memory_space<vmem>>, vector<1x1536xf32>
    %get3A_15 = arith.constant 0 : index
    %get3A_16 = arith.constant 0 : index
    %get3A_17 = vector.load %arg2[%get3A_15, %get3A_16] : memref<256x1xi32, #tpu.memory_space<vmem>>, vector<256x1xi32>
    %broadcast_in_dim3A = arith.constant 0.000000e+00 : f32
    %broadcast_in_dim3A_18 = vector.broadcast %broadcast_in_dim3A : f32 to vector<256x512xf32>
    %broadcast_in_dim3A_19 = arith.constant -3.40282347E+38 : f32
    %broadcast_in_dim3A_20 = vector.broadcast %broadcast_in_dim3A_19 : f32 to vector<256x512xf32>
    %convert_element_type3A = arith.truncf %get3A_5 : vector<1536x128xf32> to vector<1536x128xbf16>
    %convert_element_type3A_21 = arith.truncf %get3A_8 : vector<1536x512xf32> to vector<1536x512xbf16>
    %slice3A = vector.extract_strided_slice %get3A_2 {offsets = [0, 0, 0], sizes = [256, 1, 128], strides = [1, 1, 1]} : vector<256x20x128xf32> to vector<256x1x128xf32>
    %squeeze3A = vector.shape_cast %slice3A : vector<256x1x128xf32> to vector<256x128xf32>
    %convert_element_type3A_22 = arith.truncf %squeeze3A : vector<256x128xf32> to vector<256x128xbf16>
    %dot_general3A = arith.constant dense<0.000000e+00> : vector<256x1536xf32>
    %dot_general3A_23 = tpu.matmul %convert_element_type3A_22, %convert_element_type3A, %dot_general3A {dimension_numbers = #tpu.dot_dimension_numbers<[1], [1], [0], [0], [0, 0, 1, 0], [], []>, transpose_lhs_hint = false} : vector<256x128xbf16>, vector<1536x128xbf16>, vector<256x1536xf32> -> vector<256x1536xf32>
    %add3A = vector.broadcast %get3A_11 : vector<1x1536xf32> to vector<256x1536xf32>
    %add3A_24 = arith.addf %dot_general3A_23, %add3A : vector<256x1536xf32>
    %convert_element_type3A_25 = arith.truncf %broadcast_in_dim3A_18 : vector<256x512xf32> to vector<256x512xbf16>
    %dot_general3A_26 = arith.constant dense<0.000000e+00> : vector<256x1536xf32>
    %dot_general3A_27 = tpu.matmul %convert_element_type3A_25, %convert_element_type3A_21, %dot_general3A_26 {dimension_numbers = #tpu.dot_dimension_numbers<[1], [1], [0], [0], [0, 0, 1, 0], [], []>, transpose_lhs_hint = false} : vector<256x512xbf16>, vector<1536x512xbf16>, vector<256x1536xf32> -> vector<256x1536xf32>
    %add3A_28 = vector.broadcast %get3A_14 : vector<1x1536xf32> to vector<256x1536xf32>
    %add3A_29 = arith.addf %dot_general3A_27, %add3A_28 : vector<256x1536xf32>
    %slice3A_30 = vector.extract_strided_slice %add3A_24 {offsets = [0, 0], sizes = [256, 512], strides = [1, 1]} : vector<256x1536xf32> to vector<256x512xf32>
    %slice3A_31 = vector.extract_strided_slice %add3A_29 {offsets = [0, 0], sizes = [256, 512], strides = [1, 1]} : vector<256x1536xf32> to vector<256x512xf32>
    %add3A_32 = arith.addf %slice3A_30, %slice3A_31 : vector<256x512xf32>
    %logistic3A = arith.negf %add3A_32 : vector<256x512xf32>
    %logistic3A_33 = math.exp %logistic3A : vector<256x512xf32>
    %logistic3A_34 = arith.constant 1.000000e+00 : f32
    %logistic3A_35 = vector.broadcast %logistic3A_34 : f32 to vector<256x512xf32>
    %logistic3A_36 = arith.addf %logistic3A_35, %logistic3A_33 : vector<256x512xf32>
    %logistic3A_37 = arith.divf %logistic3A_35, %logistic3A_36 : vector<256x512xf32>
    %slice3A_38 = vector.extract_strided_slice %add3A_24 {offsets = [0, 512], sizes = [256, 512], strides = [1, 1]} : vector<256x1536xf32> to vector<256x512xf32>
    %slice3A_39 = vector.extract_strided_slice %add3A_29 {offsets = [0, 512], sizes = [256, 512], strides = [1, 1]} : vector<256x1536xf32> to vector<256x512xf32>
    %add3A_40 = arith.addf %slice3A_38, %slice3A_39 : vector<256x512xf32>
    %logistic3A_41 = arith.negf %add3A_40 : vector<256x512xf32>
    %logistic3A_42 = math.exp %logistic3A_41 : vector<256x512xf32>
    %logistic3A_43 = arith.constant 1.000000e+00 : f32
    %logistic3A_44 = vector.broadcast %logistic3A_43 : f32 to vector<256x512xf32>
    %logistic3A_45 = arith.addf %logistic3A_44, %logistic3A_42 : vector<256x512xf32>
    %logistic3A_46 = arith.divf %logistic3A_44, %logistic3A_45 : vector<256x512xf32>
    %slice3A_47 = vector.extract_strided_slice %add3A_24 {offsets = [0, 1024], sizes = [256, 512], strides = [1, 1]} : vector<256x1536xf32> to vector<256x512xf32>
    %slice3A_48 = vector.extract_strided_slice %add3A_29 {offsets = [0, 1024], sizes = [256, 512], strides = [1, 1]} : vector<256x1536xf32> to vector<256x512xf32>
    %mul3A = arith.mulf %logistic3A_37, %slice3A_48 : vector<256x512xf32>
    %add3A_49 = arith.addf %slice3A_47, %mul3A : vector<256x512xf32>
    %tanh3A = math.tanh %add3A_49 : vector<256x512xf32>
    %sub3A = arith.constant 1.000000e+00 : f32
    %sub3A_50 = vector.broadcast %sub3A : f32 to vector<256x512xf32>
    %sub3A_51 = arith.subf %sub3A_50, %logistic3A_46 : vector<256x512xf32>
    %mul3A_52 = arith.mulf %sub3A_51, %tanh3A : vector<256x512xf32>
    %mul3A_53 = arith.mulf %logistic3A_46, %broadcast_in_dim3A_18 : vector<256x512xf32>
    %add3A_54 = arith.addf %mul3A_52, %mul3A_53 : vector<256x512xf32>
    %gt3A = arith.constant 0 : i32
    %gt3A_55 = vector.broadcast %gt3A : i32 to vector<256x1xi32>
    %gt3A_56 = arith.cmpi sgt, %get3A_17, %gt3A_55 : vector<256x1xi32>
    %max3A = arith.maximumf %broadcast_in_dim3A_20, %add3A_54 : vector<256x512xf32>
    %broadcast_in_dim3A_57 = vector.shape_cast %gt3A_56 : vector<256x1xi1> to vector<256x1xi1>
    %broadcast_in_dim3A_58 = vector.broadcast %broadcast_in_dim3A_57 : vector<256x1xi1> to vector<256x512xi1>
    %select_n3A = arith.select %broadcast_in_dim3A_58, %max3A, %broadcast_in_dim3A_20 : vector<256x512xi1>, vector<256x512xf32>
    %slice3A_59 = vector.extract_strided_slice %get3A_2 {offsets = [0, 1, 0], sizes = [256, 1, 128], strides = [1, 1, 1]} : vector<256x20x128xf32> to vector<256x1x128xf32>
    %squeeze3A_60 = vector.shape_cast %slice3A_59 : vector<256x1x128xf32> to vector<256x128xf32>
    %convert_element_type3A_61 = arith.truncf %squeeze3A_60 : vector<256x128xf32> to vector<256x128xbf16>
    %dot_general3A_62 = arith.constant dense<0.000000e+00> : vector<256x1536xf32>
    %dot_general3A_63 = tpu.matmul %convert_element_type3A_61, %convert_element_type3A, %dot_general3A_62 {dimension_numbers = #tpu.dot_dimension_numbers<[1], [1], [0], [0], [0, 0, 1, 0], [], []>, transpose_lhs_hint = false} : vector<256x128xbf16>, vector<1536x128xbf16>, vector<256x1536xf32> -> vector<256x1536xf32>
    %add3A_64 = vector.broadcast %get3A_11 : vector<1x1536xf32> to vector<256x1536xf32>
    %add3A_65 = arith.addf %dot_general3A_63, %add3A_64 : vector<256x1536xf32>
    %convert_element_type3A_66 = arith.truncf %add3A_54 : vector<256x512xf32> to vector<256x512xbf16>
    %dot_general3A_67 = arith.constant dense<0.000000e+00> : vector<256x1536xf32>
    %dot_general3A_68 = tpu.matmul %convert_element_type3A_66, %convert_element_type3A_21, %dot_general3A_67 {dimension_numbers = #tpu.dot_dimension_numbers<[1], [1], [0], [0], [0, 0, 1, 0], [], []>, transpose_lhs_hint = false} : vector<256x512xbf16>, vector<1536x512xbf16>, vector<256x1536xf32> -> vector<256x1536xf32>
    %add3A_69 = vector.broadcast %get3A_14 : vector<1x1536xf32> to vector<256x1536xf32>
    %add3A_70 = arith.addf %dot_general3A_68, %add3A_69 : vector<256x1536xf32>
    %slice3A_71 = vector.extract_strided_slice %add3A_65 {offsets = [0, 0], sizes = [256, 512], strides = [1, 1]} : vector<256x1536xf32> to vector<256x512xf32>
    %slice3A_72 = vector.extract_strided_slice %add3A_70 {offsets = [0, 0], sizes = [256, 512], strides = [1, 1]} : vector<256x1536xf32> to vector<256x512xf32>
    %add3A_73 = arith.addf %slice3A_71, %slice3A_72 : vector<256x512xf32>
    %logistic3A_74 = arith.negf %add3A_73 : vector<256x512xf32>
    %logistic3A_75 = math.exp %logistic3A_74 : vector<256x512xf32>
    %logistic3A_76 = arith.constant 1.000000e+00 : f32
    %logistic3A_77 = vector.broadcast %logistic3A_76 : f32 to vector<256x512xf32>
    %logistic3A_78 = arith.addf %logistic3A_77, %logistic3A_75 : vector<256x512xf32>
    %logistic3A_79 = arith.divf %logistic3A_77, %logistic3A_78 : vector<256x512xf32>
    %slice3A_80 = vector.extract_strided_slice %add3A_65 {offsets = [0, 512], sizes = [256, 512], strides = [1, 1]} : vector<256x1536xf32> to vector<256x512xf32>
    %slice3A_81 = vector.extract_strided_slice %add3A_70 {offsets = [0, 512], sizes = [256, 512], strides = [1, 1]} : vector<256x1536xf32> to vector<256x512xf32>
    %add3A_82 = arith.addf %slice3A_80, %slice3A_81 : vector<256x512xf32>
    %logistic3A_83 = arith.negf %add3A_82 : vector<256x512xf32>
    %logistic3A_84 = math.exp %logistic3A_83 : vector<256x512xf32>
    %logistic3A_85 = arith.constant 1.000000e+00 : f32
    %logistic3A_86 = vector.broadcast %logistic3A_85 : f32 to vector<256x512xf32>
    %logistic3A_87 = arith.addf %logistic3A_86, %logistic3A_84 : vector<256x512xf32>
    %logistic3A_88 = arith.divf %logistic3A_86, %logistic3A_87 : vector<256x512xf32>
    %slice3A_89 = vector.extract_strided_slice %add3A_65 {offsets = [0, 1024], sizes = [256, 512], strides = [1, 1]} : vector<256x1536xf32> to vector<256x512xf32>
    %slice3A_90 = vector.extract_strided_slice %add3A_70 {offsets = [0, 1024], sizes = [256, 512], strides = [1, 1]} : vector<256x1536xf32> to vector<256x512xf32>
    %mul3A_91 = arith.mulf %logistic3A_79, %slice3A_90 : vector<256x512xf32>
    %add3A_92 = arith.addf %slice3A_89, %mul3A_91 : vector<256x512xf32>
    %tanh3A_93 = math.tanh %add3A_92 : vector<256x512xf32>
    %sub3A_94 = arith.constant 1.000000e+00 : f32
    %sub3A_95 = vector.broadcast %sub3A_94 : f32 to vector<256x512xf32>
    %sub3A_96 = arith.subf %sub3A_95, %logistic3A_88 : vector<256x512xf32>
    %mul3A_97 = arith.mulf %sub3A_96, %tanh3A_93 : vector<256x512xf32>
    %mul3A_98 = arith.mulf %logistic3A_88, %add3A_54 : vector<256x512xf32>
    %add3A_99 = arith.addf %mul3A_97, %mul3A_98 : vector<256x512xf32>
    %gt3A_100 = arith.constant 1 : i32
    %gt3A_101 = vector.broadcast %gt3A_100 : i32 to vector<256x1xi32>
    %gt3A_102 = arith.cmpi sgt, %get3A_17, %gt3A_101 : vector<256x1xi32>
    %max3A_103 = arith.maximumf %select_n3A, %add3A_99 : vector<256x512xf32>
    %broadcast_in_dim3A_104 = vector.shape_cast %gt3A_102 : vector<256x1xi1> to vector<256x1xi1>
    %broadcast_in_dim3A_105 = vector.broadcast %broadcast_in_dim3A_104 : vector<256x1xi1> to vector<256x512xi1>
    %select_n3A_106 = arith.select %broadcast_in_dim3A_105, %max3A_103, %select_n3A : vector<256x512xi1>, vector<256x512xf32>
    %slice3A_107 = vector.extract_strided_slice %get3A_2 {offsets = [0, 2, 0], sizes = [256, 1, 128], strides = [1, 1, 1]} : vector<256x20x128xf32> to vector<256x1x128xf32>
    %squeeze3A_108 = vector.shape_cast %slice3A_107 : vector<256x1x128xf32> to vector<256x128xf32>
    %convert_element_type3A_109 = arith.truncf %squeeze3A_108 : vector<256x128xf32> to vector<256x128xbf16>
    %dot_general3A_110 = arith.constant dense<0.000000e+00> : vector<256x1536xf32>
    %dot_general3A_111 = tpu.matmul %convert_element_type3A_109, %convert_element_type3A, %dot_general3A_110 {dimension_numbers = #tpu.dot_dimension_numbers<[1], [1], [0], [0], [0, 0, 1, 0], [], []>, transpose_lhs_hint = false} : vector<256x128xbf16>, vector<1536x128xbf16>, vector<256x1536xf32> -> vector<256x1536xf32>
    %add3A_112 = vector.broadcast %get3A_11 : vector<1x1536xf32> to vector<256x1536xf32>
    %add3A_113 = arith.addf %dot_general3A_111, %add3A_112 : vector<256x1536xf32>
    %convert_element_type3A_114 = arith.truncf %add3A_99 : vector<256x512xf32> to vector<256x512xbf16>
    %dot_general3A_115 = arith.constant dense<0.000000e+00> : vector<256x1536xf32>
    %dot_general3A_116 = tpu.matmul %convert_element_type3A_114, %convert_element_type3A_21, %dot_general3A_115 {dimension_numbers = #tpu.dot_dimension_numbers<[1], [1], [0], [0], [0, 0, 1, 0], [], []>, transpose_lhs_hint = false} : vector<256x512xbf16>, vector<1536x512xbf16>, vector<256x1536xf32> -> vector<256x1536xf32>
    %add3A_117 = vector.broadcast %get3A_14 : vector<1x1536xf32> to vector<256x1536xf32>
    %add3A_118 = arith.addf %dot_general3A_116, %add3A_117 : vector<256x1536xf32>
    %slice3A_119 = vector.extract_strided_slice %add3A_113 {offsets = [0, 0], sizes = [256, 512], strides = [1, 1]} : vector<256x1536xf32> to vector<256x512xf32>
    %slice3A_120 = vector.extract_strided_slice %add3A_118 {offsets = [0, 0], sizes = [256, 512], strides = [1, 1]} : vector<256x1536xf32> to vector<256x512xf32>
    %add3A_121 = arith.addf %slice3A_119, %slice3A_120 : vector<256x512xf32>
    %logistic3A_122 = arith.negf %add3A_121 : vector<256x512xf32>
    %logistic3A_123 = math.exp %logistic3A_122 : vector<256x512xf32>
    %logistic3A_124 = arith.constant 1.000000e+00 : f32
    %logistic3A_125 = vector.broadcast %logistic3A_124 : f32 to vector<256x512xf32>
    %logistic3A_126 = arith.addf %logistic3A_125, %logistic3A_123 : vector<256x512xf32>
    %logistic3A_127 = arith.divf %logistic3A_125, %logistic3A_126 : vector<256x512xf32>
    %slice3A_128 = vector.extract_strided_slice %add3A_113 {offsets = [0, 512], sizes = [256, 512], strides = [1, 1]} : vector<256x1536xf32> to vector<256x512xf32>
    %slice3A_129 = vector.extract_strided_slice %add3A_118 {offsets = [0, 512], sizes = [256, 512], strides = [1, 1]} : vector<256x1536xf32> to vector<256x512xf32>
    %add3A_130 = arith.addf %slice3A_128, %slice3A_129 : vector<256x512xf32>
    %logistic3A_131 = arith.negf %add3A_130 : vector<256x512xf32>
    %logistic3A_132 = math.exp %logistic3A_131 : vector<256x512xf32>
    %logistic3A_133 = arith.constant 1.000000e+00 : f32
    %logistic3A_134 = vector.broadcast %logistic3A_133 : f32 to vector<256x512xf32>
    %logistic3A_135 = arith.addf %logistic3A_134, %logistic3A_132 : vector<256x512xf32>
    %logistic3A_136 = arith.divf %logistic3A_134, %logistic3A_135 : vector<256x512xf32>
    %slice3A_137 = vector.extract_strided_slice %add3A_113 {offsets = [0, 1024], sizes = [256, 512], strides = [1, 1]} : vector<256x1536xf32> to vector<256x512xf32>
    %slice3A_138 = vector.extract_strided_slice %add3A_118 {offsets = [0, 1024], sizes = [256, 512], strides = [1, 1]} : vector<256x1536xf32> to vector<256x512xf32>
    %mul3A_139 = arith.mulf %logistic3A_127, %slice3A_138 : vector<256x512xf32>
    %add3A_140 = arith.addf %slice3A_137, %mul3A_139 : vector<256x512xf32>
    %tanh3A_141 = math.tanh %add3A_140 : vector<256x512xf32>
    %sub3A_142 = arith.constant 1.000000e+00 : f32
    %sub3A_143 = vector.broadcast %sub3A_142 : f32 to vector<256x512xf32>
    %sub3A_144 = arith.subf %sub3A_143, %logistic3A_136 : vector<256x512xf32>
    %mul3A_145 = arith.mulf %sub3A_144, %tanh3A_141 : vector<256x512xf32>
    %mul3A_146 = arith.mulf %logistic3A_136, %add3A_99 : vector<256x512xf32>
    %add3A_147 = arith.addf %mul3A_145, %mul3A_146 : vector<256x512xf32>
    %gt3A_148 = arith.constant 2 : i32
    %gt3A_149 = vector.broadcast %gt3A_148 : i32 to vector<256x1xi32>
    %gt3A_150 = arith.cmpi sgt, %get3A_17, %gt3A_149 : vector<256x1xi32>
    %max3A_151 = arith.maximumf %select_n3A_106, %add3A_147 : vector<256x512xf32>
    %broadcast_in_dim3A_152 = vector.shape_cast %gt3A_150 : vector<256x1xi1> to vector<256x1xi1>
    %broadcast_in_dim3A_153 = vector.broadcast %broadcast_in_dim3A_152 : vector<256x1xi1> to vector<256x512xi1>
    %select_n3A_154 = arith.select %broadcast_in_dim3A_153, %max3A_151, %select_n3A_106 : vector<256x512xi1>, vector<256x512xf32>
    %slice3A_155 = vector.extract_strided_slice %get3A_2 {offsets = [0, 3, 0], sizes = [256, 1, 128], strides = [1, 1, 1]} : vector<256x20x128xf32> to vector<256x1x128xf32>
    %squeeze3A_156 = vector.shape_cast %slice3A_155 : vector<256x1x128xf32> to vector<256x128xf32>
    %convert_element_type3A_157 = arith.truncf %squeeze3A_156 : vector<256x128xf32> to vector<256x128xbf16>
    %dot_general3A_158 = arith.constant dense<0.000000e+00> : vector<256x1536xf32>
    %dot_general3A_159 = tpu.matmul %convert_element_type3A_157, %convert_element_type3A, %dot_general3A_158 {dimension_numbers = #tpu.dot_dimension_numbers<[1], [1], [0], [0], [0, 0, 1, 0], [], []>, transpose_lhs_hint = false} : vector<256x128xbf16>, vector<1536x128xbf16>, vector<256x1536xf32> -> vector<256x1536xf32>
    %add3A_160 = vector.broadcast %get3A_11 : vector<1x1536xf32> to vector<256x1536xf32>
    %add3A_161 = arith.addf %dot_general3A_159, %add3A_160 : vector<256x1536xf32>
    %convert_element_type3A_162 = arith.truncf %add3A_147 : vector<256x512xf32> to vector<256x512xbf16>
    %dot_general3A_163 = arith.constant dense<0.000000e+00> : vector<256x1536xf32>
    %dot_general3A_164 = tpu.matmul %convert_element_type3A_162, %convert_element_type3A_21, %dot_general3A_163 {dimension_numbers = #tpu.dot_dimension_numbers<[1], [1], [0], [0], [0, 0, 1, 0], [], []>, transpose_lhs_hint = false} : vector<256x512xbf16>, vector<1536x512xbf16>, vector<256x1536xf32> -> vector<256x1536xf32>
    %add3A_165 = vector.broadcast %get3A_14 : vector<1x1536xf32> to vector<256x1536xf32>
    %add3A_166 = arith.addf %dot_general3A_164, %add3A_165 : vector<256x1536xf32>
    %slice3A_167 = vector.extract_strided_slice %add3A_161 {offsets = [0, 0], sizes = [256, 512], strides = [1, 1]} : vector<256x1536xf32> to vector<256x512xf32>
    %slice3A_168 = vector.extract_strided_slice %add3A_166 {offsets = [0, 0], sizes = [256, 512], strides = [1, 1]} : vector<256x1536xf32> to vector<256x512xf32>
    %add3A_169 = arith.addf %slice3A_167, %slice3A_168 : vector<256x512xf32>
    %logistic3A_170 = arith.negf %add3A_169 : vector<256x512xf32>
    %logistic3A_171 = math.exp %logistic3A_170 : vector<256x512xf32>
    %logistic3A_172 = arith.constant 1.000000e+00 : f32
    %logistic3A_173 = vector.broadcast %logistic3A_172 : f32 to vector<256x512xf32>
    %logistic3A_174 = arith.addf %logistic3A_173, %logistic3A_171 : vector<256x512xf32>
    %logistic3A_175 = arith.divf %logistic3A_173, %logistic3A_174 : vector<256x512xf32>
    %slice3A_176 = vector.extract_strided_slice %add3A_161 {offsets = [0, 512], sizes = [256, 512], strides = [1, 1]} : vector<256x1536xf32> to vector<256x512xf32>
    %slice3A_177 = vector.extract_strided_slice %add3A_166 {offsets = [0, 512], sizes = [256, 512], strides = [1, 1]} : vector<256x1536xf32> to vector<256x512xf32>
    %add3A_178 = arith.addf %slice3A_176, %slice3A_177 : vector<256x512xf32>
    %logistic3A_179 = arith.negf %add3A_178 : vector<256x512xf32>
    %logistic3A_180 = math.exp %logistic3A_179 : vector<256x512xf32>
    %logistic3A_181 = arith.constant 1.000000e+00 : f32
    %logistic3A_182 = vector.broadcast %logistic3A_181 : f32 to vector<256x512xf32>
    %logistic3A_183 = arith.addf %logistic3A_182, %logistic3A_180 : vector<256x512xf32>
    %logistic3A_184 = arith.divf %logistic3A_182, %logistic3A_183 : vector<256x512xf32>
    %slice3A_185 = vector.extract_strided_slice %add3A_161 {offsets = [0, 1024], sizes = [256, 512], strides = [1, 1]} : vector<256x1536xf32> to vector<256x512xf32>
    %slice3A_186 = vector.extract_strided_slice %add3A_166 {offsets = [0, 1024], sizes = [256, 512], strides = [1, 1]} : vector<256x1536xf32> to vector<256x512xf32>
    %mul3A_187 = arith.mulf %logistic3A_175, %slice3A_186 : vector<256x512xf32>
    %add3A_188 = arith.addf %slice3A_185, %mul3A_187 : vector<256x512xf32>
    %tanh3A_189 = math.tanh %add3A_188 : vector<256x512xf32>
    %sub3A_190 = arith.constant 1.000000e+00 : f32
    %sub3A_191 = vector.broadcast %sub3A_190 : f32 to vector<256x512xf32>
    %sub3A_192 = arith.subf %sub3A_191, %logistic3A_184 : vector<256x512xf32>
    %mul3A_193 = arith.mulf %sub3A_192, %tanh3A_189 : vector<256x512xf32>
    %mul3A_194 = arith.mulf %logistic3A_184, %add3A_147 : vector<256x512xf32>
    %add3A_195 = arith.addf %mul3A_193, %mul3A_194 : vector<256x512xf32>
    %gt3A_196 = arith.constant 3 : i32
    %gt3A_197 = vector.broadcast %gt3A_196 : i32 to vector<256x1xi32>
    %gt3A_198 = arith.cmpi sgt, %get3A_17, %gt3A_197 : vector<256x1xi32>
    %max3A_199 = arith.maximumf %select_n3A_154, %add3A_195 : vector<256x512xf32>
    %broadcast_in_dim3A_200 = vector.shape_cast %gt3A_198 : vector<256x1xi1> to vector<256x1xi1>
    %broadcast_in_dim3A_201 = vector.broadcast %broadcast_in_dim3A_200 : vector<256x1xi1> to vector<256x512xi1>
    %select_n3A_202 = arith.select %broadcast_in_dim3A_201, %max3A_199, %select_n3A_154 : vector<256x512xi1>, vector<256x512xf32>
    %slice3A_203 = vector.extract_strided_slice %get3A_2 {offsets = [0, 4, 0], sizes = [256, 1, 128], strides = [1, 1, 1]} : vector<256x20x128xf32> to vector<256x1x128xf32>
    %squeeze3A_204 = vector.shape_cast %slice3A_203 : vector<256x1x128xf32> to vector<256x128xf32>
    %convert_element_type3A_205 = arith.truncf %squeeze3A_204 : vector<256x128xf32> to vector<256x128xbf16>
    %dot_general3A_206 = arith.constant dense<0.000000e+00> : vector<256x1536xf32>
    %dot_general3A_207 = tpu.matmul %convert_element_type3A_205, %convert_element_type3A, %dot_general3A_206 {dimension_numbers = #tpu.dot_dimension_numbers<[1], [1], [0], [0], [0, 0, 1, 0], [], []>, transpose_lhs_hint = false} : vector<256x128xbf16>, vector<1536x128xbf16>, vector<256x1536xf32> -> vector<256x1536xf32>
    %add3A_208 = vector.broadcast %get3A_11 : vector<1x1536xf32> to vector<256x1536xf32>
    %add3A_209 = arith.addf %dot_general3A_207, %add3A_208 : vector<256x1536xf32>
    %convert_element_type3A_210 = arith.truncf %add3A_195 : vector<256x512xf32> to vector<256x512xbf16>
    %dot_general3A_211 = arith.constant dense<0.000000e+00> : vector<256x1536xf32>
    %dot_general3A_212 = tpu.matmul %convert_element_type3A_210, %convert_element_type3A_21, %dot_general3A_211 {dimension_numbers = #tpu.dot_dimension_numbers<[1], [1], [0], [0], [0, 0, 1, 0], [], []>, transpose_lhs_hint = false} : vector<256x512xbf16>, vector<1536x512xbf16>, vector<256x1536xf32> -> vector<256x1536xf32>
    %add3A_213 = vector.broadcast %get3A_14 : vector<1x1536xf32> to vector<256x1536xf32>
    %add3A_214 = arith.addf %dot_general3A_212, %add3A_213 : vector<256x1536xf32>
    %slice3A_215 = vector.extract_strided_slice %add3A_209 {offsets = [0, 0], sizes = [256, 512], strides = [1, 1]} : vector<256x1536xf32> to vector<256x512xf32>
    %slice3A_216 = vector.extract_strided_slice %add3A_214 {offsets = [0, 0], sizes = [256, 512], strides = [1, 1]} : vector<256x1536xf32> to vector<256x512xf32>
    %add3A_217 = arith.addf %slice3A_215, %slice3A_216 : vector<256x512xf32>
    %logistic3A_218 = arith.negf %add3A_217 : vector<256x512xf32>
    %logistic3A_219 = math.exp %logistic3A_218 : vector<256x512xf32>
    %logistic3A_220 = arith.constant 1.000000e+00 : f32
    %logistic3A_221 = vector.broadcast %logistic3A_220 : f32 to vector<256x512xf32>
    %logistic3A_222 = arith.addf %logistic3A_221, %logistic3A_219 : vector<256x512xf32>
    %logistic3A_223 = arith.divf %logistic3A_221, %logistic3A_222 : vector<256x512xf32>
    %slice3A_224 = vector.extract_strided_slice %add3A_209 {offsets = [0, 512], sizes = [256, 512], strides = [1, 1]} : vector<256x1536xf32> to vector<256x512xf32>
    %slice3A_225 = vector.extract_strided_slice %add3A_214 {offsets = [0, 512], sizes = [256, 512], strides = [1, 1]} : vector<256x1536xf32> to vector<256x512xf32>
    %add3A_226 = arith.addf %slice3A_224, %slice3A_225 : vector<256x512xf32>
    %logistic3A_227 = arith.negf %add3A_226 : vector<256x512xf32>
    %logistic3A_228 = math.exp %logistic3A_227 : vector<256x512xf32>
    %logistic3A_229 = arith.constant 1.000000e+00 : f32
    %logistic3A_230 = vector.broadcast %logistic3A_229 : f32 to vector<256x512xf32>
    %logistic3A_231 = arith.addf %logistic3A_230, %logistic3A_228 : vector<256x512xf32>
    %logistic3A_232 = arith.divf %logistic3A_230, %logistic3A_231 : vector<256x512xf32>
    %slice3A_233 = vector.extract_strided_slice %add3A_209 {offsets = [0, 1024], sizes = [256, 512], strides = [1, 1]} : vector<256x1536xf32> to vector<256x512xf32>
    %slice3A_234 = vector.extract_strided_slice %add3A_214 {offsets = [0, 1024], sizes = [256, 512], strides = [1, 1]} : vector<256x1536xf32> to vector<256x512xf32>
    %mul3A_235 = arith.mulf %logistic3A_223, %slice3A_234 : vector<256x512xf32>
    %add3A_236 = arith.addf %slice3A_233, %mul3A_235 : vector<256x512xf32>
    %tanh3A_237 = math.tanh %add3A_236 : vector<256x512xf32>
    %sub3A_238 = arith.constant 1.000000e+00 : f32
    %sub3A_239 = vector.broadcast %sub3A_238 : f32 to vector<256x512xf32>
    %sub3A_240 = arith.subf %sub3A_239, %logistic3A_232 : vector<256x512xf32>
    %mul3A_241 = arith.mulf %sub3A_240, %tanh3A_237 : vector<256x512xf32>
    %mul3A_242 = arith.mulf %logistic3A_232, %add3A_195 : vector<256x512xf32>
    %add3A_243 = arith.addf %mul3A_241, %mul3A_242 : vector<256x512xf32>
    %gt3A_244 = arith.constant 4 : i32
    %gt3A_245 = vector.broadcast %gt3A_244 : i32 to vector<256x1xi32>
    %gt3A_246 = arith.cmpi sgt, %get3A_17, %gt3A_245 : vector<256x1xi32>
    %max3A_247 = arith.maximumf %select_n3A_202, %add3A_243 : vector<256x512xf32>
    %broadcast_in_dim3A_248 = vector.shape_cast %gt3A_246 : vector<256x1xi1> to vector<256x1xi1>
    %broadcast_in_dim3A_249 = vector.broadcast %broadcast_in_dim3A_248 : vector<256x1xi1> to vector<256x512xi1>
    %select_n3A_250 = arith.select %broadcast_in_dim3A_249, %max3A_247, %select_n3A_202 : vector<256x512xi1>, vector<256x512xf32>
    %slice3A_251 = vector.extract_strided_slice %get3A_2 {offsets = [0, 5, 0], sizes = [256, 1, 128], strides = [1, 1, 1]} : vector<256x20x128xf32> to vector<256x1x128xf32>
    %squeeze3A_252 = vector.shape_cast %slice3A_251 : vector<256x1x128xf32> to vector<256x128xf32>
    %convert_element_type3A_253 = arith.truncf %squeeze3A_252 : vector<256x128xf32> to vector<256x128xbf16>
    %dot_general3A_254 = arith.constant dense<0.000000e+00> : vector<256x1536xf32>
    %dot_general3A_255 = tpu.matmul %convert_element_type3A_253, %convert_element_type3A, %dot_general3A_254 {dimension_numbers = #tpu.dot_dimension_numbers<[1], [1], [0], [0], [0, 0, 1, 0], [], []>, transpose_lhs_hint = false} : vector<256x128xbf16>, vector<1536x128xbf16>, vector<256x1536xf32> -> vector<256x1536xf32>
    %add3A_256 = vector.broadcast %get3A_11 : vector<1x1536xf32> to vector<256x1536xf32>
    %add3A_257 = arith.addf %dot_general3A_255, %add3A_256 : vector<256x1536xf32>
    %convert_element_type3A_258 = arith.truncf %add3A_243 : vector<256x512xf32> to vector<256x512xbf16>
    %dot_general3A_259 = arith.constant dense<0.000000e+00> : vector<256x1536xf32>
    %dot_general3A_260 = tpu.matmul %convert_element_type3A_258, %convert_element_type3A_21, %dot_general3A_259 {dimension_numbers = #tpu.dot_dimension_numbers<[1], [1], [0], [0], [0, 0, 1, 0], [], []>, transpose_lhs_hint = false} : vector<256x512xbf16>, vector<1536x512xbf16>, vector<256x1536xf32> -> vector<256x1536xf32>
    %add3A_261 = vector.broadcast %get3A_14 : vector<1x1536xf32> to vector<256x1536xf32>
    %add3A_262 = arith.addf %dot_general3A_260, %add3A_261 : vector<256x1536xf32>
    %slice3A_263 = vector.extract_strided_slice %add3A_257 {offsets = [0, 0], sizes = [256, 512], strides = [1, 1]} : vector<256x1536xf32> to vector<256x512xf32>
    %slice3A_264 = vector.extract_strided_slice %add3A_262 {offsets = [0, 0], sizes = [256, 512], strides = [1, 1]} : vector<256x1536xf32> to vector<256x512xf32>
    %add3A_265 = arith.addf %slice3A_263, %slice3A_264 : vector<256x512xf32>
    %logistic3A_266 = arith.negf %add3A_265 : vector<256x512xf32>
    %logistic3A_267 = math.exp %logistic3A_266 : vector<256x512xf32>
    %logistic3A_268 = arith.constant 1.000000e+00 : f32
    %logistic3A_269 = vector.broadcast %logistic3A_268 : f32 to vector<256x512xf32>
    %logistic3A_270 = arith.addf %logistic3A_269, %logistic3A_267 : vector<256x512xf32>
    %logistic3A_271 = arith.divf %logistic3A_269, %logistic3A_270 : vector<256x512xf32>
    %slice3A_272 = vector.extract_strided_slice %add3A_257 {offsets = [0, 512], sizes = [256, 512], strides = [1, 1]} : vector<256x1536xf32> to vector<256x512xf32>
    %slice3A_273 = vector.extract_strided_slice %add3A_262 {offsets = [0, 512], sizes = [256, 512], strides = [1, 1]} : vector<256x1536xf32> to vector<256x512xf32>
    %add3A_274 = arith.addf %slice3A_272, %slice3A_273 : vector<256x512xf32>
    %logistic3A_275 = arith.negf %add3A_274 : vector<256x512xf32>
    %logistic3A_276 = math.exp %logistic3A_275 : vector<256x512xf32>
    %logistic3A_277 = arith.constant 1.000000e+00 : f32
    %logistic3A_278 = vector.broadcast %logistic3A_277 : f32 to vector<256x512xf32>
    %logistic3A_279 = arith.addf %logistic3A_278, %logistic3A_276 : vector<256x512xf32>
    %logistic3A_280 = arith.divf %logistic3A_278, %logistic3A_279 : vector<256x512xf32>
    %slice3A_281 = vector.extract_strided_slice %add3A_257 {offsets = [0, 1024], sizes = [256, 512], strides = [1, 1]} : vector<256x1536xf32> to vector<256x512xf32>
    %slice3A_282 = vector.extract_strided_slice %add3A_262 {offsets = [0, 1024], sizes = [256, 512], strides = [1, 1]} : vector<256x1536xf32> to vector<256x512xf32>
    %mul3A_283 = arith.mulf %logistic3A_271, %slice3A_282 : vector<256x512xf32>
    %add3A_284 = arith.addf %slice3A_281, %mul3A_283 : vector<256x512xf32>
    %tanh3A_285 = math.tanh %add3A_284 : vector<256x512xf32>
    %sub3A_286 = arith.constant 1.000000e+00 : f32
    %sub3A_287 = vector.broadcast %sub3A_286 : f32 to vector<256x512xf32>
    %sub3A_288 = arith.subf %sub3A_287, %logistic3A_280 : vector<256x512xf32>
    %mul3A_289 = arith.mulf %sub3A_288, %tanh3A_285 : vector<256x512xf32>
    %mul3A_290 = arith.mulf %logistic3A_280, %add3A_243 : vector<256x512xf32>
    %add3A_291 = arith.addf %mul3A_289, %mul3A_290 : vector<256x512xf32>
    %gt3A_292 = arith.constant 5 : i32
    %gt3A_293 = vector.broadcast %gt3A_292 : i32 to vector<256x1xi32>
    %gt3A_294 = arith.cmpi sgt, %get3A_17, %gt3A_293 : vector<256x1xi32>
    %max3A_295 = arith.maximumf %select_n3A_250, %add3A_291 : vector<256x512xf32>
    %broadcast_in_dim3A_296 = vector.shape_cast %gt3A_294 : vector<256x1xi1> to vector<256x1xi1>
    %broadcast_in_dim3A_297 = vector.broadcast %broadcast_in_dim3A_296 : vector<256x1xi1> to vector<256x512xi1>
    %select_n3A_298 = arith.select %broadcast_in_dim3A_297, %max3A_295, %select_n3A_250 : vector<256x512xi1>, vector<256x512xf32>
    %slice3A_299 = vector.extract_strided_slice %get3A_2 {offsets = [0, 6, 0], sizes = [256, 1, 128], strides = [1, 1, 1]} : vector<256x20x128xf32> to vector<256x1x128xf32>
    %squeeze3A_300 = vector.shape_cast %slice3A_299 : vector<256x1x128xf32> to vector<256x128xf32>
    %convert_element_type3A_301 = arith.truncf %squeeze3A_300 : vector<256x128xf32> to vector<256x128xbf16>
    %dot_general3A_302 = arith.constant dense<0.000000e+00> : vector<256x1536xf32>
    %dot_general3A_303 = tpu.matmul %convert_element_type3A_301, %convert_element_type3A, %dot_general3A_302 {dimension_numbers = #tpu.dot_dimension_numbers<[1], [1], [0], [0], [0, 0, 1, 0], [], []>, transpose_lhs_hint = false} : vector<256x128xbf16>, vector<1536x128xbf16>, vector<256x1536xf32> -> vector<256x1536xf32>
    %add3A_304 = vector.broadcast %get3A_11 : vector<1x1536xf32> to vector<256x1536xf32>
    %add3A_305 = arith.addf %dot_general3A_303, %add3A_304 : vector<256x1536xf32>
    %convert_element_type3A_306 = arith.truncf %add3A_291 : vector<256x512xf32> to vector<256x512xbf16>
    %dot_general3A_307 = arith.constant dense<0.000000e+00> : vector<256x1536xf32>
    %dot_general3A_308 = tpu.matmul %convert_element_type3A_306, %convert_element_type3A_21, %dot_general3A_307 {dimension_numbers = #tpu.dot_dimension_numbers<[1], [1], [0], [0], [0, 0, 1, 0], [], []>, transpose_lhs_hint = false} : vector<256x512xbf16>, vector<1536x512xbf16>, vector<256x1536xf32> -> vector<256x1536xf32>
    %add3A_309 = vector.broadcast %get3A_14 : vector<1x1536xf32> to vector<256x1536xf32>
    %add3A_310 = arith.addf %dot_general3A_308, %add3A_309 : vector<256x1536xf32>
    %slice3A_311 = vector.extract_strided_slice %add3A_305 {offsets = [0, 0], sizes = [256, 512], strides = [1, 1]} : vector<256x1536xf32> to vector<256x512xf32>
    %slice3A_312 = vector.extract_strided_slice %add3A_310 {offsets = [0, 0], sizes = [256, 512], strides = [1, 1]} : vector<256x1536xf32> to vector<256x512xf32>
    %add3A_313 = arith.addf %slice3A_311, %slice3A_312 : vector<256x512xf32>
    %logistic3A_314 = arith.negf %add3A_313 : vector<256x512xf32>
    %logistic3A_315 = math.exp %logistic3A_314 : vector<256x512xf32>
    %logistic3A_316 = arith.constant 1.000000e+00 : f32
    %logistic3A_317 = vector.broadcast %logistic3A_316 : f32 to vector<256x512xf32>
    %logistic3A_318 = arith.addf %logistic3A_317, %logistic3A_315 : vector<256x512xf32>
    %logistic3A_319 = arith.divf %logistic3A_317, %logistic3A_318 : vector<256x512xf32>
    %slice3A_320 = vector.extract_strided_slice %add3A_305 {offsets = [0, 512], sizes = [256, 512], strides = [1, 1]} : vector<256x1536xf32> to vector<256x512xf32>
    %slice3A_321 = vector.extract_strided_slice %add3A_310 {offsets = [0, 512], sizes = [256, 512], strides = [1, 1]} : vector<256x1536xf32> to vector<256x512xf32>
    %add3A_322 = arith.addf %slice3A_320, %slice3A_321 : vector<256x512xf32>
    %logistic3A_323 = arith.negf %add3A_322 : vector<256x512xf32>
    %logistic3A_324 = math.exp %logistic3A_323 : vector<256x512xf32>
    %logistic3A_325 = arith.constant 1.000000e+00 : f32
    %logistic3A_326 = vector.broadcast %logistic3A_325 : f32 to vector<256x512xf32>
    %logistic3A_327 = arith.addf %logistic3A_326, %logistic3A_324 : vector<256x512xf32>
    %logistic3A_328 = arith.divf %logistic3A_326, %logistic3A_327 : vector<256x512xf32>
    %slice3A_329 = vector.extract_strided_slice %add3A_305 {offsets = [0, 1024], sizes = [256, 512], strides = [1, 1]} : vector<256x1536xf32> to vector<256x512xf32>
    %slice3A_330 = vector.extract_strided_slice %add3A_310 {offsets = [0, 1024], sizes = [256, 512], strides = [1, 1]} : vector<256x1536xf32> to vector<256x512xf32>
    %mul3A_331 = arith.mulf %logistic3A_319, %slice3A_330 : vector<256x512xf32>
    %add3A_332 = arith.addf %slice3A_329, %mul3A_331 : vector<256x512xf32>
    %tanh3A_333 = math.tanh %add3A_332 : vector<256x512xf32>
    %sub3A_334 = arith.constant 1.000000e+00 : f32
    %sub3A_335 = vector.broadcast %sub3A_334 : f32 to vector<256x512xf32>
    %sub3A_336 = arith.subf %sub3A_335, %logistic3A_328 : vector<256x512xf32>
    %mul3A_337 = arith.mulf %sub3A_336, %tanh3A_333 : vector<256x512xf32>
    %mul3A_338 = arith.mulf %logistic3A_328, %add3A_291 : vector<256x512xf32>
    %add3A_339 = arith.addf %mul3A_337, %mul3A_338 : vector<256x512xf32>
    %gt3A_340 = arith.constant 6 : i32
    %gt3A_341 = vector.broadcast %gt3A_340 : i32 to vector<256x1xi32>
    %gt3A_342 = arith.cmpi sgt, %get3A_17, %gt3A_341 : vector<256x1xi32>
    %max3A_343 = arith.maximumf %select_n3A_298, %add3A_339 : vector<256x512xf32>
    %broadcast_in_dim3A_344 = vector.shape_cast %gt3A_342 : vector<256x1xi1> to vector<256x1xi1>
    %broadcast_in_dim3A_345 = vector.broadcast %broadcast_in_dim3A_344 : vector<256x1xi1> to vector<256x512xi1>
    %select_n3A_346 = arith.select %broadcast_in_dim3A_345, %max3A_343, %select_n3A_298 : vector<256x512xi1>, vector<256x512xf32>
    %slice3A_347 = vector.extract_strided_slice %get3A_2 {offsets = [0, 7, 0], sizes = [256, 1, 128], strides = [1, 1, 1]} : vector<256x20x128xf32> to vector<256x1x128xf32>
    %squeeze3A_348 = vector.shape_cast %slice3A_347 : vector<256x1x128xf32> to vector<256x128xf32>
    %convert_element_type3A_349 = arith.truncf %squeeze3A_348 : vector<256x128xf32> to vector<256x128xbf16>
    %dot_general3A_350 = arith.constant dense<0.000000e+00> : vector<256x1536xf32>
    %dot_general3A_351 = tpu.matmul %convert_element_type3A_349, %convert_element_type3A, %dot_general3A_350 {dimension_numbers = #tpu.dot_dimension_numbers<[1], [1], [0], [0], [0, 0, 1, 0], [], []>, transpose_lhs_hint = false} : vector<256x128xbf16>, vector<1536x128xbf16>, vector<256x1536xf32> -> vector<256x1536xf32>
    %add3A_352 = vector.broadcast %get3A_11 : vector<1x1536xf32> to vector<256x1536xf32>
    %add3A_353 = arith.addf %dot_general3A_351, %add3A_352 : vector<256x1536xf32>
    %convert_element_type3A_354 = arith.truncf %add3A_339 : vector<256x512xf32> to vector<256x512xbf16>
    %dot_general3A_355 = arith.constant dense<0.000000e+00> : vector<256x1536xf32>
    %dot_general3A_356 = tpu.matmul %convert_element_type3A_354, %convert_element_type3A_21, %dot_general3A_355 {dimension_numbers = #tpu.dot_dimension_numbers<[1], [1], [0], [0], [0, 0, 1, 0], [], []>, transpose_lhs_hint = false} : vector<256x512xbf16>, vector<1536x512xbf16>, vector<256x1536xf32> -> vector<256x1536xf32>
    %add3A_357 = vector.broadcast %get3A_14 : vector<1x1536xf32> to vector<256x1536xf32>
    %add3A_358 = arith.addf %dot_general3A_356, %add3A_357 : vector<256x1536xf32>
    %slice3A_359 = vector.extract_strided_slice %add3A_353 {offsets = [0, 0], sizes = [256, 512], strides = [1, 1]} : vector<256x1536xf32> to vector<256x512xf32>
    %slice3A_360 = vector.extract_strided_slice %add3A_358 {offsets = [0, 0], sizes = [256, 512], strides = [1, 1]} : vector<256x1536xf32> to vector<256x512xf32>
    %add3A_361 = arith.addf %slice3A_359, %slice3A_360 : vector<256x512xf32>
    %logistic3A_362 = arith.negf %add3A_361 : vector<256x512xf32>
    %logistic3A_363 = math.exp %logistic3A_362 : vector<256x512xf32>
    %logistic3A_364 = arith.constant 1.000000e+00 : f32
    %logistic3A_365 = vector.broadcast %logistic3A_364 : f32 to vector<256x512xf32>
    %logistic3A_366 = arith.addf %logistic3A_365, %logistic3A_363 : vector<256x512xf32>
    %logistic3A_367 = arith.divf %logistic3A_365, %logistic3A_366 : vector<256x512xf32>
    %slice3A_368 = vector.extract_strided_slice %add3A_353 {offsets = [0, 512], sizes = [256, 512], strides = [1, 1]} : vector<256x1536xf32> to vector<256x512xf32>
    %slice3A_369 = vector.extract_strided_slice %add3A_358 {offsets = [0, 512], sizes = [256, 512], strides = [1, 1]} : vector<256x1536xf32> to vector<256x512xf32>
    %add3A_370 = arith.addf %slice3A_368, %slice3A_369 : vector<256x512xf32>
    %logistic3A_371 = arith.negf %add3A_370 : vector<256x512xf32>
    %logistic3A_372 = math.exp %logistic3A_371 : vector<256x512xf32>
    %logistic3A_373 = arith.constant 1.000000e+00 : f32
    %logistic3A_374 = vector.broadcast %logistic3A_373 : f32 to vector<256x512xf32>
    %logistic3A_375 = arith.addf %logistic3A_374, %logistic3A_372 : vector<256x512xf32>
    %logistic3A_376 = arith.divf %logistic3A_374, %logistic3A_375 : vector<256x512xf32>
    %slice3A_377 = vector.extract_strided_slice %add3A_353 {offsets = [0, 1024], sizes = [256, 512], strides = [1, 1]} : vector<256x1536xf32> to vector<256x512xf32>
    %slice3A_378 = vector.extract_strided_slice %add3A_358 {offsets = [0, 1024], sizes = [256, 512], strides = [1, 1]} : vector<256x1536xf32> to vector<256x512xf32>
    %mul3A_379 = arith.mulf %logistic3A_367, %slice3A_378 : vector<256x512xf32>
    %add3A_380 = arith.addf %slice3A_377, %mul3A_379 : vector<256x512xf32>
    %tanh3A_381 = math.tanh %add3A_380 : vector<256x512xf32>
    %sub3A_382 = arith.constant 1.000000e+00 : f32
    %sub3A_383 = vector.broadcast %sub3A_382 : f32 to vector<256x512xf32>
    %sub3A_384 = arith.subf %sub3A_383, %logistic3A_376 : vector<256x512xf32>
    %mul3A_385 = arith.mulf %sub3A_384, %tanh3A_381 : vector<256x512xf32>
    %mul3A_386 = arith.mulf %logistic3A_376, %add3A_339 : vector<256x512xf32>
    %add3A_387 = arith.addf %mul3A_385, %mul3A_386 : vector<256x512xf32>
    %gt3A_388 = arith.constant 7 : i32
    %gt3A_389 = vector.broadcast %gt3A_388 : i32 to vector<256x1xi32>
    %gt3A_390 = arith.cmpi sgt, %get3A_17, %gt3A_389 : vector<256x1xi32>
    %max3A_391 = arith.maximumf %select_n3A_346, %add3A_387 : vector<256x512xf32>
    %broadcast_in_dim3A_392 = vector.shape_cast %gt3A_390 : vector<256x1xi1> to vector<256x1xi1>
    %broadcast_in_dim3A_393 = vector.broadcast %broadcast_in_dim3A_392 : vector<256x1xi1> to vector<256x512xi1>
    %select_n3A_394 = arith.select %broadcast_in_dim3A_393, %max3A_391, %select_n3A_346 : vector<256x512xi1>, vector<256x512xf32>
    %slice3A_395 = vector.extract_strided_slice %get3A_2 {offsets = [0, 8, 0], sizes = [256, 1, 128], strides = [1, 1, 1]} : vector<256x20x128xf32> to vector<256x1x128xf32>
    %squeeze3A_396 = vector.shape_cast %slice3A_395 : vector<256x1x128xf32> to vector<256x128xf32>
    %convert_element_type3A_397 = arith.truncf %squeeze3A_396 : vector<256x128xf32> to vector<256x128xbf16>
    %dot_general3A_398 = arith.constant dense<0.000000e+00> : vector<256x1536xf32>
    %dot_general3A_399 = tpu.matmul %convert_element_type3A_397, %convert_element_type3A, %dot_general3A_398 {dimension_numbers = #tpu.dot_dimension_numbers<[1], [1], [0], [0], [0, 0, 1, 0], [], []>, transpose_lhs_hint = false} : vector<256x128xbf16>, vector<1536x128xbf16>, vector<256x1536xf32> -> vector<256x1536xf32>
    %add3A_400 = vector.broadcast %get3A_11 : vector<1x1536xf32> to vector<256x1536xf32>
    %add3A_401 = arith.addf %dot_general3A_399, %add3A_400 : vector<256x1536xf32>
    %convert_element_type3A_402 = arith.truncf %add3A_387 : vector<256x512xf32> to vector<256x512xbf16>
    %dot_general3A_403 = arith.constant dense<0.000000e+00> : vector<256x1536xf32>
    %dot_general3A_404 = tpu.matmul %convert_element_type3A_402, %convert_element_type3A_21, %dot_general3A_403 {dimension_numbers = #tpu.dot_dimension_numbers<[1], [1], [0], [0], [0, 0, 1, 0], [], []>, transpose_lhs_hint = false} : vector<256x512xbf16>, vector<1536x512xbf16>, vector<256x1536xf32> -> vector<256x1536xf32>
    %add3A_405 = vector.broadcast %get3A_14 : vector<1x1536xf32> to vector<256x1536xf32>
    %add3A_406 = arith.addf %dot_general3A_404, %add3A_405 : vector<256x1536xf32>
    %slice3A_407 = vector.extract_strided_slice %add3A_401 {offsets = [0, 0], sizes = [256, 512], strides = [1, 1]} : vector<256x1536xf32> to vector<256x512xf32>
    %slice3A_408 = vector.extract_strided_slice %add3A_406 {offsets = [0, 0], sizes = [256, 512], strides = [1, 1]} : vector<256x1536xf32> to vector<256x512xf32>
    %add3A_409 = arith.addf %slice3A_407, %slice3A_408 : vector<256x512xf32>
    %logistic3A_410 = arith.negf %add3A_409 : vector<256x512xf32>
    %logistic3A_411 = math.exp %logistic3A_410 : vector<256x512xf32>
    %logistic3A_412 = arith.constant 1.000000e+00 : f32
    %logistic3A_413 = vector.broadcast %logistic3A_412 : f32 to vector<256x512xf32>
    %logistic3A_414 = arith.addf %logistic3A_413, %logistic3A_411 : vector<256x512xf32>
    %logistic3A_415 = arith.divf %logistic3A_413, %logistic3A_414 : vector<256x512xf32>
    %slice3A_416 = vector.extract_strided_slice %add3A_401 {offsets = [0, 512], sizes = [256, 512], strides = [1, 1]} : vector<256x1536xf32> to vector<256x512xf32>
    %slice3A_417 = vector.extract_strided_slice %add3A_406 {offsets = [0, 512], sizes = [256, 512], strides = [1, 1]} : vector<256x1536xf32> to vector<256x512xf32>
    %add3A_418 = arith.addf %slice3A_416, %slice3A_417 : vector<256x512xf32>
    %logistic3A_419 = arith.negf %add3A_418 : vector<256x512xf32>
    %logistic3A_420 = math.exp %logistic3A_419 : vector<256x512xf32>
    %logistic3A_421 = arith.constant 1.000000e+00 : f32
    %logistic3A_422 = vector.broadcast %logistic3A_421 : f32 to vector<256x512xf32>
    %logistic3A_423 = arith.addf %logistic3A_422, %logistic3A_420 : vector<256x512xf32>
    %logistic3A_424 = arith.divf %logistic3A_422, %logistic3A_423 : vector<256x512xf32>
    %slice3A_425 = vector.extract_strided_slice %add3A_401 {offsets = [0, 1024], sizes = [256, 512], strides = [1, 1]} : vector<256x1536xf32> to vector<256x512xf32>
    %slice3A_426 = vector.extract_strided_slice %add3A_406 {offsets = [0, 1024], sizes = [256, 512], strides = [1, 1]} : vector<256x1536xf32> to vector<256x512xf32>
    %mul3A_427 = arith.mulf %logistic3A_415, %slice3A_426 : vector<256x512xf32>
    %add3A_428 = arith.addf %slice3A_425, %mul3A_427 : vector<256x512xf32>
    %tanh3A_429 = math.tanh %add3A_428 : vector<256x512xf32>
    %sub3A_430 = arith.constant 1.000000e+00 : f32
    %sub3A_431 = vector.broadcast %sub3A_430 : f32 to vector<256x512xf32>
    %sub3A_432 = arith.subf %sub3A_431, %logistic3A_424 : vector<256x512xf32>
    %mul3A_433 = arith.mulf %sub3A_432, %tanh3A_429 : vector<256x512xf32>
    %mul3A_434 = arith.mulf %logistic3A_424, %add3A_387 : vector<256x512xf32>
    %add3A_435 = arith.addf %mul3A_433, %mul3A_434 : vector<256x512xf32>
    %gt3A_436 = arith.constant 8 : i32
    %gt3A_437 = vector.broadcast %gt3A_436 : i32 to vector<256x1xi32>
    %gt3A_438 = arith.cmpi sgt, %get3A_17, %gt3A_437 : vector<256x1xi32>
    %max3A_439 = arith.maximumf %select_n3A_394, %add3A_435 : vector<256x512xf32>
    %broadcast_in_dim3A_440 = vector.shape_cast %gt3A_438 : vector<256x1xi1> to vector<256x1xi1>
    %broadcast_in_dim3A_441 = vector.broadcast %broadcast_in_dim3A_440 : vector<256x1xi1> to vector<256x512xi1>
    %select_n3A_442 = arith.select %broadcast_in_dim3A_441, %max3A_439, %select_n3A_394 : vector<256x512xi1>, vector<256x512xf32>
    %slice3A_443 = vector.extract_strided_slice %get3A_2 {offsets = [0, 9, 0], sizes = [256, 1, 128], strides = [1, 1, 1]} : vector<256x20x128xf32> to vector<256x1x128xf32>
    %squeeze3A_444 = vector.shape_cast %slice3A_443 : vector<256x1x128xf32> to vector<256x128xf32>
    %convert_element_type3A_445 = arith.truncf %squeeze3A_444 : vector<256x128xf32> to vector<256x128xbf16>
    %dot_general3A_446 = arith.constant dense<0.000000e+00> : vector<256x1536xf32>
    %dot_general3A_447 = tpu.matmul %convert_element_type3A_445, %convert_element_type3A, %dot_general3A_446 {dimension_numbers = #tpu.dot_dimension_numbers<[1], [1], [0], [0], [0, 0, 1, 0], [], []>, transpose_lhs_hint = false} : vector<256x128xbf16>, vector<1536x128xbf16>, vector<256x1536xf32> -> vector<256x1536xf32>
    %add3A_448 = vector.broadcast %get3A_11 : vector<1x1536xf32> to vector<256x1536xf32>
    %add3A_449 = arith.addf %dot_general3A_447, %add3A_448 : vector<256x1536xf32>
    %convert_element_type3A_450 = arith.truncf %add3A_435 : vector<256x512xf32> to vector<256x512xbf16>
    %dot_general3A_451 = arith.constant dense<0.000000e+00> : vector<256x1536xf32>
    %dot_general3A_452 = tpu.matmul %convert_element_type3A_450, %convert_element_type3A_21, %dot_general3A_451 {dimension_numbers = #tpu.dot_dimension_numbers<[1], [1], [0], [0], [0, 0, 1, 0], [], []>, transpose_lhs_hint = false} : vector<256x512xbf16>, vector<1536x512xbf16>, vector<256x1536xf32> -> vector<256x1536xf32>
    %add3A_453 = vector.broadcast %get3A_14 : vector<1x1536xf32> to vector<256x1536xf32>
    %add3A_454 = arith.addf %dot_general3A_452, %add3A_453 : vector<256x1536xf32>
    %slice3A_455 = vector.extract_strided_slice %add3A_449 {offsets = [0, 0], sizes = [256, 512], strides = [1, 1]} : vector<256x1536xf32> to vector<256x512xf32>
    %slice3A_456 = vector.extract_strided_slice %add3A_454 {offsets = [0, 0], sizes = [256, 512], strides = [1, 1]} : vector<256x1536xf32> to vector<256x512xf32>
    %add3A_457 = arith.addf %slice3A_455, %slice3A_456 : vector<256x512xf32>
    %logistic3A_458 = arith.negf %add3A_457 : vector<256x512xf32>
    %logistic3A_459 = math.exp %logistic3A_458 : vector<256x512xf32>
    %logistic3A_460 = arith.constant 1.000000e+00 : f32
    %logistic3A_461 = vector.broadcast %logistic3A_460 : f32 to vector<256x512xf32>
    %logistic3A_462 = arith.addf %logistic3A_461, %logistic3A_459 : vector<256x512xf32>
    %logistic3A_463 = arith.divf %logistic3A_461, %logistic3A_462 : vector<256x512xf32>
    %slice3A_464 = vector.extract_strided_slice %add3A_449 {offsets = [0, 512], sizes = [256, 512], strides = [1, 1]} : vector<256x1536xf32> to vector<256x512xf32>
    %slice3A_465 = vector.extract_strided_slice %add3A_454 {offsets = [0, 512], sizes = [256, 512], strides = [1, 1]} : vector<256x1536xf32> to vector<256x512xf32>
    %add3A_466 = arith.addf %slice3A_464, %slice3A_465 : vector<256x512xf32>
    %logistic3A_467 = arith.negf %add3A_466 : vector<256x512xf32>
    %logistic3A_468 = math.exp %logistic3A_467 : vector<256x512xf32>
    %logistic3A_469 = arith.constant 1.000000e+00 : f32
    %logistic3A_470 = vector.broadcast %logistic3A_469 : f32 to vector<256x512xf32>
    %logistic3A_471 = arith.addf %logistic3A_470, %logistic3A_468 : vector<256x512xf32>
    %logistic3A_472 = arith.divf %logistic3A_470, %logistic3A_471 : vector<256x512xf32>
    %slice3A_473 = vector.extract_strided_slice %add3A_449 {offsets = [0, 1024], sizes = [256, 512], strides = [1, 1]} : vector<256x1536xf32> to vector<256x512xf32>
    %slice3A_474 = vector.extract_strided_slice %add3A_454 {offsets = [0, 1024], sizes = [256, 512], strides = [1, 1]} : vector<256x1536xf32> to vector<256x512xf32>
    %mul3A_475 = arith.mulf %logistic3A_463, %slice3A_474 : vector<256x512xf32>
    %add3A_476 = arith.addf %slice3A_473, %mul3A_475 : vector<256x512xf32>
    %tanh3A_477 = math.tanh %add3A_476 : vector<256x512xf32>
    %sub3A_478 = arith.constant 1.000000e+00 : f32
    %sub3A_479 = vector.broadcast %sub3A_478 : f32 to vector<256x512xf32>
    %sub3A_480 = arith.subf %sub3A_479, %logistic3A_472 : vector<256x512xf32>
    %mul3A_481 = arith.mulf %sub3A_480, %tanh3A_477 : vector<256x512xf32>
    %mul3A_482 = arith.mulf %logistic3A_472, %add3A_435 : vector<256x512xf32>
    %add3A_483 = arith.addf %mul3A_481, %mul3A_482 : vector<256x512xf32>
    %gt3A_484 = arith.constant 9 : i32
    %gt3A_485 = vector.broadcast %gt3A_484 : i32 to vector<256x1xi32>
    %gt3A_486 = arith.cmpi sgt, %get3A_17, %gt3A_485 : vector<256x1xi32>
    %max3A_487 = arith.maximumf %select_n3A_442, %add3A_483 : vector<256x512xf32>
    %broadcast_in_dim3A_488 = vector.shape_cast %gt3A_486 : vector<256x1xi1> to vector<256x1xi1>
    %broadcast_in_dim3A_489 = vector.broadcast %broadcast_in_dim3A_488 : vector<256x1xi1> to vector<256x512xi1>
    %select_n3A_490 = arith.select %broadcast_in_dim3A_489, %max3A_487, %select_n3A_442 : vector<256x512xi1>, vector<256x512xf32>
    %slice3A_491 = vector.extract_strided_slice %get3A_2 {offsets = [0, 10, 0], sizes = [256, 1, 128], strides = [1, 1, 1]} : vector<256x20x128xf32> to vector<256x1x128xf32>
    %squeeze3A_492 = vector.shape_cast %slice3A_491 : vector<256x1x128xf32> to vector<256x128xf32>
    %convert_element_type3A_493 = arith.truncf %squeeze3A_492 : vector<256x128xf32> to vector<256x128xbf16>
    %dot_general3A_494 = arith.constant dense<0.000000e+00> : vector<256x1536xf32>
    %dot_general3A_495 = tpu.matmul %convert_element_type3A_493, %convert_element_type3A, %dot_general3A_494 {dimension_numbers = #tpu.dot_dimension_numbers<[1], [1], [0], [0], [0, 0, 1, 0], [], []>, transpose_lhs_hint = false} : vector<256x128xbf16>, vector<1536x128xbf16>, vector<256x1536xf32> -> vector<256x1536xf32>
    %add3A_496 = vector.broadcast %get3A_11 : vector<1x1536xf32> to vector<256x1536xf32>
    %add3A_497 = arith.addf %dot_general3A_495, %add3A_496 : vector<256x1536xf32>
    %convert_element_type3A_498 = arith.truncf %add3A_483 : vector<256x512xf32> to vector<256x512xbf16>
    %dot_general3A_499 = arith.constant dense<0.000000e+00> : vector<256x1536xf32>
    %dot_general3A_500 = tpu.matmul %convert_element_type3A_498, %convert_element_type3A_21, %dot_general3A_499 {dimension_numbers = #tpu.dot_dimension_numbers<[1], [1], [0], [0], [0, 0, 1, 0], [], []>, transpose_lhs_hint = false} : vector<256x512xbf16>, vector<1536x512xbf16>, vector<256x1536xf32> -> vector<256x1536xf32>
    %add3A_501 = vector.broadcast %get3A_14 : vector<1x1536xf32> to vector<256x1536xf32>
    %add3A_502 = arith.addf %dot_general3A_500, %add3A_501 : vector<256x1536xf32>
    %slice3A_503 = vector.extract_strided_slice %add3A_497 {offsets = [0, 0], sizes = [256, 512], strides = [1, 1]} : vector<256x1536xf32> to vector<256x512xf32>
    %slice3A_504 = vector.extract_strided_slice %add3A_502 {offsets = [0, 0], sizes = [256, 512], strides = [1, 1]} : vector<256x1536xf32> to vector<256x512xf32>
    %add3A_505 = arith.addf %slice3A_503, %slice3A_504 : vector<256x512xf32>
    %logistic3A_506 = arith.negf %add3A_505 : vector<256x512xf32>
    %logistic3A_507 = math.exp %logistic3A_506 : vector<256x512xf32>
    %logistic3A_508 = arith.constant 1.000000e+00 : f32
    %logistic3A_509 = vector.broadcast %logistic3A_508 : f32 to vector<256x512xf32>
    %logistic3A_510 = arith.addf %logistic3A_509, %logistic3A_507 : vector<256x512xf32>
    %logistic3A_511 = arith.divf %logistic3A_509, %logistic3A_510 : vector<256x512xf32>
    %slice3A_512 = vector.extract_strided_slice %add3A_497 {offsets = [0, 512], sizes = [256, 512], strides = [1, 1]} : vector<256x1536xf32> to vector<256x512xf32>
    %slice3A_513 = vector.extract_strided_slice %add3A_502 {offsets = [0, 512], sizes = [256, 512], strides = [1, 1]} : vector<256x1536xf32> to vector<256x512xf32>
    %add3A_514 = arith.addf %slice3A_512, %slice3A_513 : vector<256x512xf32>
    %logistic3A_515 = arith.negf %add3A_514 : vector<256x512xf32>
    %logistic3A_516 = math.exp %logistic3A_515 : vector<256x512xf32>
    %logistic3A_517 = arith.constant 1.000000e+00 : f32
    %logistic3A_518 = vector.broadcast %logistic3A_517 : f32 to vector<256x512xf32>
    %logistic3A_519 = arith.addf %logistic3A_518, %logistic3A_516 : vector<256x512xf32>
    %logistic3A_520 = arith.divf %logistic3A_518, %logistic3A_519 : vector<256x512xf32>
    %slice3A_521 = vector.extract_strided_slice %add3A_497 {offsets = [0, 1024], sizes = [256, 512], strides = [1, 1]} : vector<256x1536xf32> to vector<256x512xf32>
    %slice3A_522 = vector.extract_strided_slice %add3A_502 {offsets = [0, 1024], sizes = [256, 512], strides = [1, 1]} : vector<256x1536xf32> to vector<256x512xf32>
    %mul3A_523 = arith.mulf %logistic3A_511, %slice3A_522 : vector<256x512xf32>
    %add3A_524 = arith.addf %slice3A_521, %mul3A_523 : vector<256x512xf32>
    %tanh3A_525 = math.tanh %add3A_524 : vector<256x512xf32>
    %sub3A_526 = arith.constant 1.000000e+00 : f32
    %sub3A_527 = vector.broadcast %sub3A_526 : f32 to vector<256x512xf32>
    %sub3A_528 = arith.subf %sub3A_527, %logistic3A_520 : vector<256x512xf32>
    %mul3A_529 = arith.mulf %sub3A_528, %tanh3A_525 : vector<256x512xf32>
    %mul3A_530 = arith.mulf %logistic3A_520, %add3A_483 : vector<256x512xf32>
    %add3A_531 = arith.addf %mul3A_529, %mul3A_530 : vector<256x512xf32>
    %gt3A_532 = arith.constant 10 : i32
    %gt3A_533 = vector.broadcast %gt3A_532 : i32 to vector<256x1xi32>
    %gt3A_534 = arith.cmpi sgt, %get3A_17, %gt3A_533 : vector<256x1xi32>
    %max3A_535 = arith.maximumf %select_n3A_490, %add3A_531 : vector<256x512xf32>
    %broadcast_in_dim3A_536 = vector.shape_cast %gt3A_534 : vector<256x1xi1> to vector<256x1xi1>
    %broadcast_in_dim3A_537 = vector.broadcast %broadcast_in_dim3A_536 : vector<256x1xi1> to vector<256x512xi1>
    %select_n3A_538 = arith.select %broadcast_in_dim3A_537, %max3A_535, %select_n3A_490 : vector<256x512xi1>, vector<256x512xf32>
    %slice3A_539 = vector.extract_strided_slice %get3A_2 {offsets = [0, 11, 0], sizes = [256, 1, 128], strides = [1, 1, 1]} : vector<256x20x128xf32> to vector<256x1x128xf32>
    %squeeze3A_540 = vector.shape_cast %slice3A_539 : vector<256x1x128xf32> to vector<256x128xf32>
    %convert_element_type3A_541 = arith.truncf %squeeze3A_540 : vector<256x128xf32> to vector<256x128xbf16>
    %dot_general3A_542 = arith.constant dense<0.000000e+00> : vector<256x1536xf32>
    %dot_general3A_543 = tpu.matmul %convert_element_type3A_541, %convert_element_type3A, %dot_general3A_542 {dimension_numbers = #tpu.dot_dimension_numbers<[1], [1], [0], [0], [0, 0, 1, 0], [], []>, transpose_lhs_hint = false} : vector<256x128xbf16>, vector<1536x128xbf16>, vector<256x1536xf32> -> vector<256x1536xf32>
    %add3A_544 = vector.broadcast %get3A_11 : vector<1x1536xf32> to vector<256x1536xf32>
    %add3A_545 = arith.addf %dot_general3A_543, %add3A_544 : vector<256x1536xf32>
    %convert_element_type3A_546 = arith.truncf %add3A_531 : vector<256x512xf32> to vector<256x512xbf16>
    %dot_general3A_547 = arith.constant dense<0.000000e+00> : vector<256x1536xf32>
    %dot_general3A_548 = tpu.matmul %convert_element_type3A_546, %convert_element_type3A_21, %dot_general3A_547 {dimension_numbers = #tpu.dot_dimension_numbers<[1], [1], [0], [0], [0, 0, 1, 0], [], []>, transpose_lhs_hint = false} : vector<256x512xbf16>, vector<1536x512xbf16>, vector<256x1536xf32> -> vector<256x1536xf32>
    %add3A_549 = vector.broadcast %get3A_14 : vector<1x1536xf32> to vector<256x1536xf32>
    %add3A_550 = arith.addf %dot_general3A_548, %add3A_549 : vector<256x1536xf32>
    %slice3A_551 = vector.extract_strided_slice %add3A_545 {offsets = [0, 0], sizes = [256, 512], strides = [1, 1]} : vector<256x1536xf32> to vector<256x512xf32>
    %slice3A_552 = vector.extract_strided_slice %add3A_550 {offsets = [0, 0], sizes = [256, 512], strides = [1, 1]} : vector<256x1536xf32> to vector<256x512xf32>
    %add3A_553 = arith.addf %slice3A_551, %slice3A_552 : vector<256x512xf32>
    %logistic3A_554 = arith.negf %add3A_553 : vector<256x512xf32>
    %logistic3A_555 = math.exp %logistic3A_554 : vector<256x512xf32>
    %logistic3A_556 = arith.constant 1.000000e+00 : f32
    %logistic3A_557 = vector.broadcast %logistic3A_556 : f32 to vector<256x512xf32>
    %logistic3A_558 = arith.addf %logistic3A_557, %logistic3A_555 : vector<256x512xf32>
    %logistic3A_559 = arith.divf %logistic3A_557, %logistic3A_558 : vector<256x512xf32>
    %slice3A_560 = vector.extract_strided_slice %add3A_545 {offsets = [0, 512], sizes = [256, 512], strides = [1, 1]} : vector<256x1536xf32> to vector<256x512xf32>
    %slice3A_561 = vector.extract_strided_slice %add3A_550 {offsets = [0, 512], sizes = [256, 512], strides = [1, 1]} : vector<256x1536xf32> to vector<256x512xf32>
    %add3A_562 = arith.addf %slice3A_560, %slice3A_561 : vector<256x512xf32>
    %logistic3A_563 = arith.negf %add3A_562 : vector<256x512xf32>
    %logistic3A_564 = math.exp %logistic3A_563 : vector<256x512xf32>
    %logistic3A_565 = arith.constant 1.000000e+00 : f32
    %logistic3A_566 = vector.broadcast %logistic3A_565 : f32 to vector<256x512xf32>
    %logistic3A_567 = arith.addf %logistic3A_566, %logistic3A_564 : vector<256x512xf32>
    %logistic3A_568 = arith.divf %logistic3A_566, %logistic3A_567 : vector<256x512xf32>
    %slice3A_569 = vector.extract_strided_slice %add3A_545 {offsets = [0, 1024], sizes = [256, 512], strides = [1, 1]} : vector<256x1536xf32> to vector<256x512xf32>
    %slice3A_570 = vector.extract_strided_slice %add3A_550 {offsets = [0, 1024], sizes = [256, 512], strides = [1, 1]} : vector<256x1536xf32> to vector<256x512xf32>
    %mul3A_571 = arith.mulf %logistic3A_559, %slice3A_570 : vector<256x512xf32>
    %add3A_572 = arith.addf %slice3A_569, %mul3A_571 : vector<256x512xf32>
    %tanh3A_573 = math.tanh %add3A_572 : vector<256x512xf32>
    %sub3A_574 = arith.constant 1.000000e+00 : f32
    %sub3A_575 = vector.broadcast %sub3A_574 : f32 to vector<256x512xf32>
    %sub3A_576 = arith.subf %sub3A_575, %logistic3A_568 : vector<256x512xf32>
    %mul3A_577 = arith.mulf %sub3A_576, %tanh3A_573 : vector<256x512xf32>
    %mul3A_578 = arith.mulf %logistic3A_568, %add3A_531 : vector<256x512xf32>
    %add3A_579 = arith.addf %mul3A_577, %mul3A_578 : vector<256x512xf32>
    %gt3A_580 = arith.constant 11 : i32
    %gt3A_581 = vector.broadcast %gt3A_580 : i32 to vector<256x1xi32>
    %gt3A_582 = arith.cmpi sgt, %get3A_17, %gt3A_581 : vector<256x1xi32>
    %max3A_583 = arith.maximumf %select_n3A_538, %add3A_579 : vector<256x512xf32>
    %broadcast_in_dim3A_584 = vector.shape_cast %gt3A_582 : vector<256x1xi1> to vector<256x1xi1>
    %broadcast_in_dim3A_585 = vector.broadcast %broadcast_in_dim3A_584 : vector<256x1xi1> to vector<256x512xi1>
    %select_n3A_586 = arith.select %broadcast_in_dim3A_585, %max3A_583, %select_n3A_538 : vector<256x512xi1>, vector<256x512xf32>
    %slice3A_587 = vector.extract_strided_slice %get3A_2 {offsets = [0, 12, 0], sizes = [256, 1, 128], strides = [1, 1, 1]} : vector<256x20x128xf32> to vector<256x1x128xf32>
    %squeeze3A_588 = vector.shape_cast %slice3A_587 : vector<256x1x128xf32> to vector<256x128xf32>
    %convert_element_type3A_589 = arith.truncf %squeeze3A_588 : vector<256x128xf32> to vector<256x128xbf16>
    %dot_general3A_590 = arith.constant dense<0.000000e+00> : vector<256x1536xf32>
    %dot_general3A_591 = tpu.matmul %convert_element_type3A_589, %convert_element_type3A, %dot_general3A_590 {dimension_numbers = #tpu.dot_dimension_numbers<[1], [1], [0], [0], [0, 0, 1, 0], [], []>, transpose_lhs_hint = false} : vector<256x128xbf16>, vector<1536x128xbf16>, vector<256x1536xf32> -> vector<256x1536xf32>
    %add3A_592 = vector.broadcast %get3A_11 : vector<1x1536xf32> to vector<256x1536xf32>
    %add3A_593 = arith.addf %dot_general3A_591, %add3A_592 : vector<256x1536xf32>
    %convert_element_type3A_594 = arith.truncf %add3A_579 : vector<256x512xf32> to vector<256x512xbf16>
    %dot_general3A_595 = arith.constant dense<0.000000e+00> : vector<256x1536xf32>
    %dot_general3A_596 = tpu.matmul %convert_element_type3A_594, %convert_element_type3A_21, %dot_general3A_595 {dimension_numbers = #tpu.dot_dimension_numbers<[1], [1], [0], [0], [0, 0, 1, 0], [], []>, transpose_lhs_hint = false} : vector<256x512xbf16>, vector<1536x512xbf16>, vector<256x1536xf32> -> vector<256x1536xf32>
    %add3A_597 = vector.broadcast %get3A_14 : vector<1x1536xf32> to vector<256x1536xf32>
    %add3A_598 = arith.addf %dot_general3A_596, %add3A_597 : vector<256x1536xf32>
    %slice3A_599 = vector.extract_strided_slice %add3A_593 {offsets = [0, 0], sizes = [256, 512], strides = [1, 1]} : vector<256x1536xf32> to vector<256x512xf32>
    %slice3A_600 = vector.extract_strided_slice %add3A_598 {offsets = [0, 0], sizes = [256, 512], strides = [1, 1]} : vector<256x1536xf32> to vector<256x512xf32>
    %add3A_601 = arith.addf %slice3A_599, %slice3A_600 : vector<256x512xf32>
    %logistic3A_602 = arith.negf %add3A_601 : vector<256x512xf32>
    %logistic3A_603 = math.exp %logistic3A_602 : vector<256x512xf32>
    %logistic3A_604 = arith.constant 1.000000e+00 : f32
    %logistic3A_605 = vector.broadcast %logistic3A_604 : f32 to vector<256x512xf32>
    %logistic3A_606 = arith.addf %logistic3A_605, %logistic3A_603 : vector<256x512xf32>
    %logistic3A_607 = arith.divf %logistic3A_605, %logistic3A_606 : vector<256x512xf32>
    %slice3A_608 = vector.extract_strided_slice %add3A_593 {offsets = [0, 512], sizes = [256, 512], strides = [1, 1]} : vector<256x1536xf32> to vector<256x512xf32>
    %slice3A_609 = vector.extract_strided_slice %add3A_598 {offsets = [0, 512], sizes = [256, 512], strides = [1, 1]} : vector<256x1536xf32> to vector<256x512xf32>
    %add3A_610 = arith.addf %slice3A_608, %slice3A_609 : vector<256x512xf32>
    %logistic3A_611 = arith.negf %add3A_610 : vector<256x512xf32>
    %logistic3A_612 = math.exp %logistic3A_611 : vector<256x512xf32>
    %logistic3A_613 = arith.constant 1.000000e+00 : f32
    %logistic3A_614 = vector.broadcast %logistic3A_613 : f32 to vector<256x512xf32>
    %logistic3A_615 = arith.addf %logistic3A_614, %logistic3A_612 : vector<256x512xf32>
    %logistic3A_616 = arith.divf %logistic3A_614, %logistic3A_615 : vector<256x512xf32>
    %slice3A_617 = vector.extract_strided_slice %add3A_593 {offsets = [0, 1024], sizes = [256, 512], strides = [1, 1]} : vector<256x1536xf32> to vector<256x512xf32>
    %slice3A_618 = vector.extract_strided_slice %add3A_598 {offsets = [0, 1024], sizes = [256, 512], strides = [1, 1]} : vector<256x1536xf32> to vector<256x512xf32>
    %mul3A_619 = arith.mulf %logistic3A_607, %slice3A_618 : vector<256x512xf32>
    %add3A_620 = arith.addf %slice3A_617, %mul3A_619 : vector<256x512xf32>
    %tanh3A_621 = math.tanh %add3A_620 : vector<256x512xf32>
    %sub3A_622 = arith.constant 1.000000e+00 : f32
    %sub3A_623 = vector.broadcast %sub3A_622 : f32 to vector<256x512xf32>
    %sub3A_624 = arith.subf %sub3A_623, %logistic3A_616 : vector<256x512xf32>
    %mul3A_625 = arith.mulf %sub3A_624, %tanh3A_621 : vector<256x512xf32>
    %mul3A_626 = arith.mulf %logistic3A_616, %add3A_579 : vector<256x512xf32>
    %add3A_627 = arith.addf %mul3A_625, %mul3A_626 : vector<256x512xf32>
    %gt3A_628 = arith.constant 12 : i32
    %gt3A_629 = vector.broadcast %gt3A_628 : i32 to vector<256x1xi32>
    %gt3A_630 = arith.cmpi sgt, %get3A_17, %gt3A_629 : vector<256x1xi32>
    %max3A_631 = arith.maximumf %select_n3A_586, %add3A_627 : vector<256x512xf32>
    %broadcast_in_dim3A_632 = vector.shape_cast %gt3A_630 : vector<256x1xi1> to vector<256x1xi1>
    %broadcast_in_dim3A_633 = vector.broadcast %broadcast_in_dim3A_632 : vector<256x1xi1> to vector<256x512xi1>
    %select_n3A_634 = arith.select %broadcast_in_dim3A_633, %max3A_631, %select_n3A_586 : vector<256x512xi1>, vector<256x512xf32>
    %slice3A_635 = vector.extract_strided_slice %get3A_2 {offsets = [0, 13, 0], sizes = [256, 1, 128], strides = [1, 1, 1]} : vector<256x20x128xf32> to vector<256x1x128xf32>
    %squeeze3A_636 = vector.shape_cast %slice3A_635 : vector<256x1x128xf32> to vector<256x128xf32>
    %convert_element_type3A_637 = arith.truncf %squeeze3A_636 : vector<256x128xf32> to vector<256x128xbf16>
    %dot_general3A_638 = arith.constant dense<0.000000e+00> : vector<256x1536xf32>
    %dot_general3A_639 = tpu.matmul %convert_element_type3A_637, %convert_element_type3A, %dot_general3A_638 {dimension_numbers = #tpu.dot_dimension_numbers<[1], [1], [0], [0], [0, 0, 1, 0], [], []>, transpose_lhs_hint = false} : vector<256x128xbf16>, vector<1536x128xbf16>, vector<256x1536xf32> -> vector<256x1536xf32>
    %add3A_640 = vector.broadcast %get3A_11 : vector<1x1536xf32> to vector<256x1536xf32>
    %add3A_641 = arith.addf %dot_general3A_639, %add3A_640 : vector<256x1536xf32>
    %convert_element_type3A_642 = arith.truncf %add3A_627 : vector<256x512xf32> to vector<256x512xbf16>
    %dot_general3A_643 = arith.constant dense<0.000000e+00> : vector<256x1536xf32>
    %dot_general3A_644 = tpu.matmul %convert_element_type3A_642, %convert_element_type3A_21, %dot_general3A_643 {dimension_numbers = #tpu.dot_dimension_numbers<[1], [1], [0], [0], [0, 0, 1, 0], [], []>, transpose_lhs_hint = false} : vector<256x512xbf16>, vector<1536x512xbf16>, vector<256x1536xf32> -> vector<256x1536xf32>
    %add3A_645 = vector.broadcast %get3A_14 : vector<1x1536xf32> to vector<256x1536xf32>
    %add3A_646 = arith.addf %dot_general3A_644, %add3A_645 : vector<256x1536xf32>
    %slice3A_647 = vector.extract_strided_slice %add3A_641 {offsets = [0, 0], sizes = [256, 512], strides = [1, 1]} : vector<256x1536xf32> to vector<256x512xf32>
    %slice3A_648 = vector.extract_strided_slice %add3A_646 {offsets = [0, 0], sizes = [256, 512], strides = [1, 1]} : vector<256x1536xf32> to vector<256x512xf32>
    %add3A_649 = arith.addf %slice3A_647, %slice3A_648 : vector<256x512xf32>
    %logistic3A_650 = arith.negf %add3A_649 : vector<256x512xf32>
    %logistic3A_651 = math.exp %logistic3A_650 : vector<256x512xf32>
    %logistic3A_652 = arith.constant 1.000000e+00 : f32
    %logistic3A_653 = vector.broadcast %logistic3A_652 : f32 to vector<256x512xf32>
    %logistic3A_654 = arith.addf %logistic3A_653, %logistic3A_651 : vector<256x512xf32>
    %logistic3A_655 = arith.divf %logistic3A_653, %logistic3A_654 : vector<256x512xf32>
    %slice3A_656 = vector.extract_strided_slice %add3A_641 {offsets = [0, 512], sizes = [256, 512], strides = [1, 1]} : vector<256x1536xf32> to vector<256x512xf32>
    %slice3A_657 = vector.extract_strided_slice %add3A_646 {offsets = [0, 512], sizes = [256, 512], strides = [1, 1]} : vector<256x1536xf32> to vector<256x512xf32>
    %add3A_658 = arith.addf %slice3A_656, %slice3A_657 : vector<256x512xf32>
    %logistic3A_659 = arith.negf %add3A_658 : vector<256x512xf32>
    %logistic3A_660 = math.exp %logistic3A_659 : vector<256x512xf32>
    %logistic3A_661 = arith.constant 1.000000e+00 : f32
    %logistic3A_662 = vector.broadcast %logistic3A_661 : f32 to vector<256x512xf32>
    %logistic3A_663 = arith.addf %logistic3A_662, %logistic3A_660 : vector<256x512xf32>
    %logistic3A_664 = arith.divf %logistic3A_662, %logistic3A_663 : vector<256x512xf32>
    %slice3A_665 = vector.extract_strided_slice %add3A_641 {offsets = [0, 1024], sizes = [256, 512], strides = [1, 1]} : vector<256x1536xf32> to vector<256x512xf32>
    %slice3A_666 = vector.extract_strided_slice %add3A_646 {offsets = [0, 1024], sizes = [256, 512], strides = [1, 1]} : vector<256x1536xf32> to vector<256x512xf32>
    %mul3A_667 = arith.mulf %logistic3A_655, %slice3A_666 : vector<256x512xf32>
    %add3A_668 = arith.addf %slice3A_665, %mul3A_667 : vector<256x512xf32>
    %tanh3A_669 = math.tanh %add3A_668 : vector<256x512xf32>
    %sub3A_670 = arith.constant 1.000000e+00 : f32
    %sub3A_671 = vector.broadcast %sub3A_670 : f32 to vector<256x512xf32>
    %sub3A_672 = arith.subf %sub3A_671, %logistic3A_664 : vector<256x512xf32>
    %mul3A_673 = arith.mulf %sub3A_672, %tanh3A_669 : vector<256x512xf32>
    %mul3A_674 = arith.mulf %logistic3A_664, %add3A_627 : vector<256x512xf32>
    %add3A_675 = arith.addf %mul3A_673, %mul3A_674 : vector<256x512xf32>
    %gt3A_676 = arith.constant 13 : i32
    %gt3A_677 = vector.broadcast %gt3A_676 : i32 to vector<256x1xi32>
    %gt3A_678 = arith.cmpi sgt, %get3A_17, %gt3A_677 : vector<256x1xi32>
    %max3A_679 = arith.maximumf %select_n3A_634, %add3A_675 : vector<256x512xf32>
    %broadcast_in_dim3A_680 = vector.shape_cast %gt3A_678 : vector<256x1xi1> to vector<256x1xi1>
    %broadcast_in_dim3A_681 = vector.broadcast %broadcast_in_dim3A_680 : vector<256x1xi1> to vector<256x512xi1>
    %select_n3A_682 = arith.select %broadcast_in_dim3A_681, %max3A_679, %select_n3A_634 : vector<256x512xi1>, vector<256x512xf32>
    %slice3A_683 = vector.extract_strided_slice %get3A_2 {offsets = [0, 14, 0], sizes = [256, 1, 128], strides = [1, 1, 1]} : vector<256x20x128xf32> to vector<256x1x128xf32>
    %squeeze3A_684 = vector.shape_cast %slice3A_683 : vector<256x1x128xf32> to vector<256x128xf32>
    %convert_element_type3A_685 = arith.truncf %squeeze3A_684 : vector<256x128xf32> to vector<256x128xbf16>
    %dot_general3A_686 = arith.constant dense<0.000000e+00> : vector<256x1536xf32>
    %dot_general3A_687 = tpu.matmul %convert_element_type3A_685, %convert_element_type3A, %dot_general3A_686 {dimension_numbers = #tpu.dot_dimension_numbers<[1], [1], [0], [0], [0, 0, 1, 0], [], []>, transpose_lhs_hint = false} : vector<256x128xbf16>, vector<1536x128xbf16>, vector<256x1536xf32> -> vector<256x1536xf32>
    %add3A_688 = vector.broadcast %get3A_11 : vector<1x1536xf32> to vector<256x1536xf32>
    %add3A_689 = arith.addf %dot_general3A_687, %add3A_688 : vector<256x1536xf32>
    %convert_element_type3A_690 = arith.truncf %add3A_675 : vector<256x512xf32> to vector<256x512xbf16>
    %dot_general3A_691 = arith.constant dense<0.000000e+00> : vector<256x1536xf32>
    %dot_general3A_692 = tpu.matmul %convert_element_type3A_690, %convert_element_type3A_21, %dot_general3A_691 {dimension_numbers = #tpu.dot_dimension_numbers<[1], [1], [0], [0], [0, 0, 1, 0], [], []>, transpose_lhs_hint = false} : vector<256x512xbf16>, vector<1536x512xbf16>, vector<256x1536xf32> -> vector<256x1536xf32>
    %add3A_693 = vector.broadcast %get3A_14 : vector<1x1536xf32> to vector<256x1536xf32>
    %add3A_694 = arith.addf %dot_general3A_692, %add3A_693 : vector<256x1536xf32>
    %slice3A_695 = vector.extract_strided_slice %add3A_689 {offsets = [0, 0], sizes = [256, 512], strides = [1, 1]} : vector<256x1536xf32> to vector<256x512xf32>
    %slice3A_696 = vector.extract_strided_slice %add3A_694 {offsets = [0, 0], sizes = [256, 512], strides = [1, 1]} : vector<256x1536xf32> to vector<256x512xf32>
    %add3A_697 = arith.addf %slice3A_695, %slice3A_696 : vector<256x512xf32>
    %logistic3A_698 = arith.negf %add3A_697 : vector<256x512xf32>
    %logistic3A_699 = math.exp %logistic3A_698 : vector<256x512xf32>
    %logistic3A_700 = arith.constant 1.000000e+00 : f32
    %logistic3A_701 = vector.broadcast %logistic3A_700 : f32 to vector<256x512xf32>
    %logistic3A_702 = arith.addf %logistic3A_701, %logistic3A_699 : vector<256x512xf32>
    %logistic3A_703 = arith.divf %logistic3A_701, %logistic3A_702 : vector<256x512xf32>
    %slice3A_704 = vector.extract_strided_slice %add3A_689 {offsets = [0, 512], sizes = [256, 512], strides = [1, 1]} : vector<256x1536xf32> to vector<256x512xf32>
    %slice3A_705 = vector.extract_strided_slice %add3A_694 {offsets = [0, 512], sizes = [256, 512], strides = [1, 1]} : vector<256x1536xf32> to vector<256x512xf32>
    %add3A_706 = arith.addf %slice3A_704, %slice3A_705 : vector<256x512xf32>
    %logistic3A_707 = arith.negf %add3A_706 : vector<256x512xf32>
    %logistic3A_708 = math.exp %logistic3A_707 : vector<256x512xf32>
    %logistic3A_709 = arith.constant 1.000000e+00 : f32
    %logistic3A_710 = vector.broadcast %logistic3A_709 : f32 to vector<256x512xf32>
    %logistic3A_711 = arith.addf %logistic3A_710, %logistic3A_708 : vector<256x512xf32>
    %logistic3A_712 = arith.divf %logistic3A_710, %logistic3A_711 : vector<256x512xf32>
    %slice3A_713 = vector.extract_strided_slice %add3A_689 {offsets = [0, 1024], sizes = [256, 512], strides = [1, 1]} : vector<256x1536xf32> to vector<256x512xf32>
    %slice3A_714 = vector.extract_strided_slice %add3A_694 {offsets = [0, 1024], sizes = [256, 512], strides = [1, 1]} : vector<256x1536xf32> to vector<256x512xf32>
    %mul3A_715 = arith.mulf %logistic3A_703, %slice3A_714 : vector<256x512xf32>
    %add3A_716 = arith.addf %slice3A_713, %mul3A_715 : vector<256x512xf32>
    %tanh3A_717 = math.tanh %add3A_716 : vector<256x512xf32>
    %sub3A_718 = arith.constant 1.000000e+00 : f32
    %sub3A_719 = vector.broadcast %sub3A_718 : f32 to vector<256x512xf32>
    %sub3A_720 = arith.subf %sub3A_719, %logistic3A_712 : vector<256x512xf32>
    %mul3A_721 = arith.mulf %sub3A_720, %tanh3A_717 : vector<256x512xf32>
    %mul3A_722 = arith.mulf %logistic3A_712, %add3A_675 : vector<256x512xf32>
    %add3A_723 = arith.addf %mul3A_721, %mul3A_722 : vector<256x512xf32>
    %gt3A_724 = arith.constant 14 : i32
    %gt3A_725 = vector.broadcast %gt3A_724 : i32 to vector<256x1xi32>
    %gt3A_726 = arith.cmpi sgt, %get3A_17, %gt3A_725 : vector<256x1xi32>
    %max3A_727 = arith.maximumf %select_n3A_682, %add3A_723 : vector<256x512xf32>
    %broadcast_in_dim3A_728 = vector.shape_cast %gt3A_726 : vector<256x1xi1> to vector<256x1xi1>
    %broadcast_in_dim3A_729 = vector.broadcast %broadcast_in_dim3A_728 : vector<256x1xi1> to vector<256x512xi1>
    %select_n3A_730 = arith.select %broadcast_in_dim3A_729, %max3A_727, %select_n3A_682 : vector<256x512xi1>, vector<256x512xf32>
    %slice3A_731 = vector.extract_strided_slice %get3A_2 {offsets = [0, 15, 0], sizes = [256, 1, 128], strides = [1, 1, 1]} : vector<256x20x128xf32> to vector<256x1x128xf32>
    %squeeze3A_732 = vector.shape_cast %slice3A_731 : vector<256x1x128xf32> to vector<256x128xf32>
    %convert_element_type3A_733 = arith.truncf %squeeze3A_732 : vector<256x128xf32> to vector<256x128xbf16>
    %dot_general3A_734 = arith.constant dense<0.000000e+00> : vector<256x1536xf32>
    %dot_general3A_735 = tpu.matmul %convert_element_type3A_733, %convert_element_type3A, %dot_general3A_734 {dimension_numbers = #tpu.dot_dimension_numbers<[1], [1], [0], [0], [0, 0, 1, 0], [], []>, transpose_lhs_hint = false} : vector<256x128xbf16>, vector<1536x128xbf16>, vector<256x1536xf32> -> vector<256x1536xf32>
    %add3A_736 = vector.broadcast %get3A_11 : vector<1x1536xf32> to vector<256x1536xf32>
    %add3A_737 = arith.addf %dot_general3A_735, %add3A_736 : vector<256x1536xf32>
    %convert_element_type3A_738 = arith.truncf %add3A_723 : vector<256x512xf32> to vector<256x512xbf16>
    %dot_general3A_739 = arith.constant dense<0.000000e+00> : vector<256x1536xf32>
    %dot_general3A_740 = tpu.matmul %convert_element_type3A_738, %convert_element_type3A_21, %dot_general3A_739 {dimension_numbers = #tpu.dot_dimension_numbers<[1], [1], [0], [0], [0, 0, 1, 0], [], []>, transpose_lhs_hint = false} : vector<256x512xbf16>, vector<1536x512xbf16>, vector<256x1536xf32> -> vector<256x1536xf32>
    %add3A_741 = vector.broadcast %get3A_14 : vector<1x1536xf32> to vector<256x1536xf32>
    %add3A_742 = arith.addf %dot_general3A_740, %add3A_741 : vector<256x1536xf32>
    %slice3A_743 = vector.extract_strided_slice %add3A_737 {offsets = [0, 0], sizes = [256, 512], strides = [1, 1]} : vector<256x1536xf32> to vector<256x512xf32>
    %slice3A_744 = vector.extract_strided_slice %add3A_742 {offsets = [0, 0], sizes = [256, 512], strides = [1, 1]} : vector<256x1536xf32> to vector<256x512xf32>
    %add3A_745 = arith.addf %slice3A_743, %slice3A_744 : vector<256x512xf32>
    %logistic3A_746 = arith.negf %add3A_745 : vector<256x512xf32>
    %logistic3A_747 = math.exp %logistic3A_746 : vector<256x512xf32>
    %logistic3A_748 = arith.constant 1.000000e+00 : f32
    %logistic3A_749 = vector.broadcast %logistic3A_748 : f32 to vector<256x512xf32>
    %logistic3A_750 = arith.addf %logistic3A_749, %logistic3A_747 : vector<256x512xf32>
    %logistic3A_751 = arith.divf %logistic3A_749, %logistic3A_750 : vector<256x512xf32>
    %slice3A_752 = vector.extract_strided_slice %add3A_737 {offsets = [0, 512], sizes = [256, 512], strides = [1, 1]} : vector<256x1536xf32> to vector<256x512xf32>
    %slice3A_753 = vector.extract_strided_slice %add3A_742 {offsets = [0, 512], sizes = [256, 512], strides = [1, 1]} : vector<256x1536xf32> to vector<256x512xf32>
    %add3A_754 = arith.addf %slice3A_752, %slice3A_753 : vector<256x512xf32>
    %logistic3A_755 = arith.negf %add3A_754 : vector<256x512xf32>
    %logistic3A_756 = math.exp %logistic3A_755 : vector<256x512xf32>
    %logistic3A_757 = arith.constant 1.000000e+00 : f32
    %logistic3A_758 = vector.broadcast %logistic3A_757 : f32 to vector<256x512xf32>
    %logistic3A_759 = arith.addf %logistic3A_758, %logistic3A_756 : vector<256x512xf32>
    %logistic3A_760 = arith.divf %logistic3A_758, %logistic3A_759 : vector<256x512xf32>
    %slice3A_761 = vector.extract_strided_slice %add3A_737 {offsets = [0, 1024], sizes = [256, 512], strides = [1, 1]} : vector<256x1536xf32> to vector<256x512xf32>
    %slice3A_762 = vector.extract_strided_slice %add3A_742 {offsets = [0, 1024], sizes = [256, 512], strides = [1, 1]} : vector<256x1536xf32> to vector<256x512xf32>
    %mul3A_763 = arith.mulf %logistic3A_751, %slice3A_762 : vector<256x512xf32>
    %add3A_764 = arith.addf %slice3A_761, %mul3A_763 : vector<256x512xf32>
    %tanh3A_765 = math.tanh %add3A_764 : vector<256x512xf32>
    %sub3A_766 = arith.constant 1.000000e+00 : f32
    %sub3A_767 = vector.broadcast %sub3A_766 : f32 to vector<256x512xf32>
    %sub3A_768 = arith.subf %sub3A_767, %logistic3A_760 : vector<256x512xf32>
    %mul3A_769 = arith.mulf %sub3A_768, %tanh3A_765 : vector<256x512xf32>
    %mul3A_770 = arith.mulf %logistic3A_760, %add3A_723 : vector<256x512xf32>
    %add3A_771 = arith.addf %mul3A_769, %mul3A_770 : vector<256x512xf32>
    %gt3A_772 = arith.constant 15 : i32
    %gt3A_773 = vector.broadcast %gt3A_772 : i32 to vector<256x1xi32>
    %gt3A_774 = arith.cmpi sgt, %get3A_17, %gt3A_773 : vector<256x1xi32>
    %max3A_775 = arith.maximumf %select_n3A_730, %add3A_771 : vector<256x512xf32>
    %broadcast_in_dim3A_776 = vector.shape_cast %gt3A_774 : vector<256x1xi1> to vector<256x1xi1>
    %broadcast_in_dim3A_777 = vector.broadcast %broadcast_in_dim3A_776 : vector<256x1xi1> to vector<256x512xi1>
    %select_n3A_778 = arith.select %broadcast_in_dim3A_777, %max3A_775, %select_n3A_730 : vector<256x512xi1>, vector<256x512xf32>
    %slice3A_779 = vector.extract_strided_slice %get3A_2 {offsets = [0, 16, 0], sizes = [256, 1, 128], strides = [1, 1, 1]} : vector<256x20x128xf32> to vector<256x1x128xf32>
    %squeeze3A_780 = vector.shape_cast %slice3A_779 : vector<256x1x128xf32> to vector<256x128xf32>
    %convert_element_type3A_781 = arith.truncf %squeeze3A_780 : vector<256x128xf32> to vector<256x128xbf16>
    %dot_general3A_782 = arith.constant dense<0.000000e+00> : vector<256x1536xf32>
    %dot_general3A_783 = tpu.matmul %convert_element_type3A_781, %convert_element_type3A, %dot_general3A_782 {dimension_numbers = #tpu.dot_dimension_numbers<[1], [1], [0], [0], [0, 0, 1, 0], [], []>, transpose_lhs_hint = false} : vector<256x128xbf16>, vector<1536x128xbf16>, vector<256x1536xf32> -> vector<256x1536xf32>
    %add3A_784 = vector.broadcast %get3A_11 : vector<1x1536xf32> to vector<256x1536xf32>
    %add3A_785 = arith.addf %dot_general3A_783, %add3A_784 : vector<256x1536xf32>
    %convert_element_type3A_786 = arith.truncf %add3A_771 : vector<256x512xf32> to vector<256x512xbf16>
    %dot_general3A_787 = arith.constant dense<0.000000e+00> : vector<256x1536xf32>
    %dot_general3A_788 = tpu.matmul %convert_element_type3A_786, %convert_element_type3A_21, %dot_general3A_787 {dimension_numbers = #tpu.dot_dimension_numbers<[1], [1], [0], [0], [0, 0, 1, 0], [], []>, transpose_lhs_hint = false} : vector<256x512xbf16>, vector<1536x512xbf16>, vector<256x1536xf32> -> vector<256x1536xf32>
    %add3A_789 = vector.broadcast %get3A_14 : vector<1x1536xf32> to vector<256x1536xf32>
    %add3A_790 = arith.addf %dot_general3A_788, %add3A_789 : vector<256x1536xf32>
    %slice3A_791 = vector.extract_strided_slice %add3A_785 {offsets = [0, 0], sizes = [256, 512], strides = [1, 1]} : vector<256x1536xf32> to vector<256x512xf32>
    %slice3A_792 = vector.extract_strided_slice %add3A_790 {offsets = [0, 0], sizes = [256, 512], strides = [1, 1]} : vector<256x1536xf32> to vector<256x512xf32>
    %add3A_793 = arith.addf %slice3A_791, %slice3A_792 : vector<256x512xf32>
    %logistic3A_794 = arith.negf %add3A_793 : vector<256x512xf32>
    %logistic3A_795 = math.exp %logistic3A_794 : vector<256x512xf32>
    %logistic3A_796 = arith.constant 1.000000e+00 : f32
    %logistic3A_797 = vector.broadcast %logistic3A_796 : f32 to vector<256x512xf32>
    %logistic3A_798 = arith.addf %logistic3A_797, %logistic3A_795 : vector<256x512xf32>
    %logistic3A_799 = arith.divf %logistic3A_797, %logistic3A_798 : vector<256x512xf32>
    %slice3A_800 = vector.extract_strided_slice %add3A_785 {offsets = [0, 512], sizes = [256, 512], strides = [1, 1]} : vector<256x1536xf32> to vector<256x512xf32>
    %slice3A_801 = vector.extract_strided_slice %add3A_790 {offsets = [0, 512], sizes = [256, 512], strides = [1, 1]} : vector<256x1536xf32> to vector<256x512xf32>
    %add3A_802 = arith.addf %slice3A_800, %slice3A_801 : vector<256x512xf32>
    %logistic3A_803 = arith.negf %add3A_802 : vector<256x512xf32>
    %logistic3A_804 = math.exp %logistic3A_803 : vector<256x512xf32>
    %logistic3A_805 = arith.constant 1.000000e+00 : f32
    %logistic3A_806 = vector.broadcast %logistic3A_805 : f32 to vector<256x512xf32>
    %logistic3A_807 = arith.addf %logistic3A_806, %logistic3A_804 : vector<256x512xf32>
    %logistic3A_808 = arith.divf %logistic3A_806, %logistic3A_807 : vector<256x512xf32>
    %slice3A_809 = vector.extract_strided_slice %add3A_785 {offsets = [0, 1024], sizes = [256, 512], strides = [1, 1]} : vector<256x1536xf32> to vector<256x512xf32>
    %slice3A_810 = vector.extract_strided_slice %add3A_790 {offsets = [0, 1024], sizes = [256, 512], strides = [1, 1]} : vector<256x1536xf32> to vector<256x512xf32>
    %mul3A_811 = arith.mulf %logistic3A_799, %slice3A_810 : vector<256x512xf32>
    %add3A_812 = arith.addf %slice3A_809, %mul3A_811 : vector<256x512xf32>
    %tanh3A_813 = math.tanh %add3A_812 : vector<256x512xf32>
    %sub3A_814 = arith.constant 1.000000e+00 : f32
    %sub3A_815 = vector.broadcast %sub3A_814 : f32 to vector<256x512xf32>
    %sub3A_816 = arith.subf %sub3A_815, %logistic3A_808 : vector<256x512xf32>
    %mul3A_817 = arith.mulf %sub3A_816, %tanh3A_813 : vector<256x512xf32>
    %mul3A_818 = arith.mulf %logistic3A_808, %add3A_771 : vector<256x512xf32>
    %add3A_819 = arith.addf %mul3A_817, %mul3A_818 : vector<256x512xf32>
    %gt3A_820 = arith.constant 16 : i32
    %gt3A_821 = vector.broadcast %gt3A_820 : i32 to vector<256x1xi32>
    %gt3A_822 = arith.cmpi sgt, %get3A_17, %gt3A_821 : vector<256x1xi32>
    %max3A_823 = arith.maximumf %select_n3A_778, %add3A_819 : vector<256x512xf32>
    %broadcast_in_dim3A_824 = vector.shape_cast %gt3A_822 : vector<256x1xi1> to vector<256x1xi1>
    %broadcast_in_dim3A_825 = vector.broadcast %broadcast_in_dim3A_824 : vector<256x1xi1> to vector<256x512xi1>
    %select_n3A_826 = arith.select %broadcast_in_dim3A_825, %max3A_823, %select_n3A_778 : vector<256x512xi1>, vector<256x512xf32>
    %slice3A_827 = vector.extract_strided_slice %get3A_2 {offsets = [0, 17, 0], sizes = [256, 1, 128], strides = [1, 1, 1]} : vector<256x20x128xf32> to vector<256x1x128xf32>
    %squeeze3A_828 = vector.shape_cast %slice3A_827 : vector<256x1x128xf32> to vector<256x128xf32>
    %convert_element_type3A_829 = arith.truncf %squeeze3A_828 : vector<256x128xf32> to vector<256x128xbf16>
    %dot_general3A_830 = arith.constant dense<0.000000e+00> : vector<256x1536xf32>
    %dot_general3A_831 = tpu.matmul %convert_element_type3A_829, %convert_element_type3A, %dot_general3A_830 {dimension_numbers = #tpu.dot_dimension_numbers<[1], [1], [0], [0], [0, 0, 1, 0], [], []>, transpose_lhs_hint = false} : vector<256x128xbf16>, vector<1536x128xbf16>, vector<256x1536xf32> -> vector<256x1536xf32>
    %add3A_832 = vector.broadcast %get3A_11 : vector<1x1536xf32> to vector<256x1536xf32>
    %add3A_833 = arith.addf %dot_general3A_831, %add3A_832 : vector<256x1536xf32>
    %convert_element_type3A_834 = arith.truncf %add3A_819 : vector<256x512xf32> to vector<256x512xbf16>
    %dot_general3A_835 = arith.constant dense<0.000000e+00> : vector<256x1536xf32>
    %dot_general3A_836 = tpu.matmul %convert_element_type3A_834, %convert_element_type3A_21, %dot_general3A_835 {dimension_numbers = #tpu.dot_dimension_numbers<[1], [1], [0], [0], [0, 0, 1, 0], [], []>, transpose_lhs_hint = false} : vector<256x512xbf16>, vector<1536x512xbf16>, vector<256x1536xf32> -> vector<256x1536xf32>
    %add3A_837 = vector.broadcast %get3A_14 : vector<1x1536xf32> to vector<256x1536xf32>
    %add3A_838 = arith.addf %dot_general3A_836, %add3A_837 : vector<256x1536xf32>
    %slice3A_839 = vector.extract_strided_slice %add3A_833 {offsets = [0, 0], sizes = [256, 512], strides = [1, 1]} : vector<256x1536xf32> to vector<256x512xf32>
    %slice3A_840 = vector.extract_strided_slice %add3A_838 {offsets = [0, 0], sizes = [256, 512], strides = [1, 1]} : vector<256x1536xf32> to vector<256x512xf32>
    %add3A_841 = arith.addf %slice3A_839, %slice3A_840 : vector<256x512xf32>
    %logistic3A_842 = arith.negf %add3A_841 : vector<256x512xf32>
    %logistic3A_843 = math.exp %logistic3A_842 : vector<256x512xf32>
    %logistic3A_844 = arith.constant 1.000000e+00 : f32
    %logistic3A_845 = vector.broadcast %logistic3A_844 : f32 to vector<256x512xf32>
    %logistic3A_846 = arith.addf %logistic3A_845, %logistic3A_843 : vector<256x512xf32>
    %logistic3A_847 = arith.divf %logistic3A_845, %logistic3A_846 : vector<256x512xf32>
    %slice3A_848 = vector.extract_strided_slice %add3A_833 {offsets = [0, 512], sizes = [256, 512], strides = [1, 1]} : vector<256x1536xf32> to vector<256x512xf32>
    %slice3A_849 = vector.extract_strided_slice %add3A_838 {offsets = [0, 512], sizes = [256, 512], strides = [1, 1]} : vector<256x1536xf32> to vector<256x512xf32>
    %add3A_850 = arith.addf %slice3A_848, %slice3A_849 : vector<256x512xf32>
    %logistic3A_851 = arith.negf %add3A_850 : vector<256x512xf32>
    %logistic3A_852 = math.exp %logistic3A_851 : vector<256x512xf32>
    %logistic3A_853 = arith.constant 1.000000e+00 : f32
    %logistic3A_854 = vector.broadcast %logistic3A_853 : f32 to vector<256x512xf32>
    %logistic3A_855 = arith.addf %logistic3A_854, %logistic3A_852 : vector<256x512xf32>
    %logistic3A_856 = arith.divf %logistic3A_854, %logistic3A_855 : vector<256x512xf32>
    %slice3A_857 = vector.extract_strided_slice %add3A_833 {offsets = [0, 1024], sizes = [256, 512], strides = [1, 1]} : vector<256x1536xf32> to vector<256x512xf32>
    %slice3A_858 = vector.extract_strided_slice %add3A_838 {offsets = [0, 1024], sizes = [256, 512], strides = [1, 1]} : vector<256x1536xf32> to vector<256x512xf32>
    %mul3A_859 = arith.mulf %logistic3A_847, %slice3A_858 : vector<256x512xf32>
    %add3A_860 = arith.addf %slice3A_857, %mul3A_859 : vector<256x512xf32>
    %tanh3A_861 = math.tanh %add3A_860 : vector<256x512xf32>
    %sub3A_862 = arith.constant 1.000000e+00 : f32
    %sub3A_863 = vector.broadcast %sub3A_862 : f32 to vector<256x512xf32>
    %sub3A_864 = arith.subf %sub3A_863, %logistic3A_856 : vector<256x512xf32>
    %mul3A_865 = arith.mulf %sub3A_864, %tanh3A_861 : vector<256x512xf32>
    %mul3A_866 = arith.mulf %logistic3A_856, %add3A_819 : vector<256x512xf32>
    %add3A_867 = arith.addf %mul3A_865, %mul3A_866 : vector<256x512xf32>
    %gt3A_868 = arith.constant 17 : i32
    %gt3A_869 = vector.broadcast %gt3A_868 : i32 to vector<256x1xi32>
    %gt3A_870 = arith.cmpi sgt, %get3A_17, %gt3A_869 : vector<256x1xi32>
    %max3A_871 = arith.maximumf %select_n3A_826, %add3A_867 : vector<256x512xf32>
    %broadcast_in_dim3A_872 = vector.shape_cast %gt3A_870 : vector<256x1xi1> to vector<256x1xi1>
    %broadcast_in_dim3A_873 = vector.broadcast %broadcast_in_dim3A_872 : vector<256x1xi1> to vector<256x512xi1>
    %select_n3A_874 = arith.select %broadcast_in_dim3A_873, %max3A_871, %select_n3A_826 : vector<256x512xi1>, vector<256x512xf32>
    %slice3A_875 = vector.extract_strided_slice %get3A_2 {offsets = [0, 18, 0], sizes = [256, 1, 128], strides = [1, 1, 1]} : vector<256x20x128xf32> to vector<256x1x128xf32>
    %squeeze3A_876 = vector.shape_cast %slice3A_875 : vector<256x1x128xf32> to vector<256x128xf32>
    %convert_element_type3A_877 = arith.truncf %squeeze3A_876 : vector<256x128xf32> to vector<256x128xbf16>
    %dot_general3A_878 = arith.constant dense<0.000000e+00> : vector<256x1536xf32>
    %dot_general3A_879 = tpu.matmul %convert_element_type3A_877, %convert_element_type3A, %dot_general3A_878 {dimension_numbers = #tpu.dot_dimension_numbers<[1], [1], [0], [0], [0, 0, 1, 0], [], []>, transpose_lhs_hint = false} : vector<256x128xbf16>, vector<1536x128xbf16>, vector<256x1536xf32> -> vector<256x1536xf32>
    %add3A_880 = vector.broadcast %get3A_11 : vector<1x1536xf32> to vector<256x1536xf32>
    %add3A_881 = arith.addf %dot_general3A_879, %add3A_880 : vector<256x1536xf32>
    %convert_element_type3A_882 = arith.truncf %add3A_867 : vector<256x512xf32> to vector<256x512xbf16>
    %dot_general3A_883 = arith.constant dense<0.000000e+00> : vector<256x1536xf32>
    %dot_general3A_884 = tpu.matmul %convert_element_type3A_882, %convert_element_type3A_21, %dot_general3A_883 {dimension_numbers = #tpu.dot_dimension_numbers<[1], [1], [0], [0], [0, 0, 1, 0], [], []>, transpose_lhs_hint = false} : vector<256x512xbf16>, vector<1536x512xbf16>, vector<256x1536xf32> -> vector<256x1536xf32>
    %add3A_885 = vector.broadcast %get3A_14 : vector<1x1536xf32> to vector<256x1536xf32>
    %add3A_886 = arith.addf %dot_general3A_884, %add3A_885 : vector<256x1536xf32>
    %slice3A_887 = vector.extract_strided_slice %add3A_881 {offsets = [0, 0], sizes = [256, 512], strides = [1, 1]} : vector<256x1536xf32> to vector<256x512xf32>
    %slice3A_888 = vector.extract_strided_slice %add3A_886 {offsets = [0, 0], sizes = [256, 512], strides = [1, 1]} : vector<256x1536xf32> to vector<256x512xf32>
    %add3A_889 = arith.addf %slice3A_887, %slice3A_888 : vector<256x512xf32>
    %logistic3A_890 = arith.negf %add3A_889 : vector<256x512xf32>
    %logistic3A_891 = math.exp %logistic3A_890 : vector<256x512xf32>
    %logistic3A_892 = arith.constant 1.000000e+00 : f32
    %logistic3A_893 = vector.broadcast %logistic3A_892 : f32 to vector<256x512xf32>
    %logistic3A_894 = arith.addf %logistic3A_893, %logistic3A_891 : vector<256x512xf32>
    %logistic3A_895 = arith.divf %logistic3A_893, %logistic3A_894 : vector<256x512xf32>
    %slice3A_896 = vector.extract_strided_slice %add3A_881 {offsets = [0, 512], sizes = [256, 512], strides = [1, 1]} : vector<256x1536xf32> to vector<256x512xf32>
    %slice3A_897 = vector.extract_strided_slice %add3A_886 {offsets = [0, 512], sizes = [256, 512], strides = [1, 1]} : vector<256x1536xf32> to vector<256x512xf32>
    %add3A_898 = arith.addf %slice3A_896, %slice3A_897 : vector<256x512xf32>
    %logistic3A_899 = arith.negf %add3A_898 : vector<256x512xf32>
    %logistic3A_900 = math.exp %logistic3A_899 : vector<256x512xf32>
    %logistic3A_901 = arith.constant 1.000000e+00 : f32
    %logistic3A_902 = vector.broadcast %logistic3A_901 : f32 to vector<256x512xf32>
    %logistic3A_903 = arith.addf %logistic3A_902, %logistic3A_900 : vector<256x512xf32>
    %logistic3A_904 = arith.divf %logistic3A_902, %logistic3A_903 : vector<256x512xf32>
    %slice3A_905 = vector.extract_strided_slice %add3A_881 {offsets = [0, 1024], sizes = [256, 512], strides = [1, 1]} : vector<256x1536xf32> to vector<256x512xf32>
    %slice3A_906 = vector.extract_strided_slice %add3A_886 {offsets = [0, 1024], sizes = [256, 512], strides = [1, 1]} : vector<256x1536xf32> to vector<256x512xf32>
    %mul3A_907 = arith.mulf %logistic3A_895, %slice3A_906 : vector<256x512xf32>
    %add3A_908 = arith.addf %slice3A_905, %mul3A_907 : vector<256x512xf32>
    %tanh3A_909 = math.tanh %add3A_908 : vector<256x512xf32>
    %sub3A_910 = arith.constant 1.000000e+00 : f32
    %sub3A_911 = vector.broadcast %sub3A_910 : f32 to vector<256x512xf32>
    %sub3A_912 = arith.subf %sub3A_911, %logistic3A_904 : vector<256x512xf32>
    %mul3A_913 = arith.mulf %sub3A_912, %tanh3A_909 : vector<256x512xf32>
    %mul3A_914 = arith.mulf %logistic3A_904, %add3A_867 : vector<256x512xf32>
    %add3A_915 = arith.addf %mul3A_913, %mul3A_914 : vector<256x512xf32>
    %gt3A_916 = arith.constant 18 : i32
    %gt3A_917 = vector.broadcast %gt3A_916 : i32 to vector<256x1xi32>
    %gt3A_918 = arith.cmpi sgt, %get3A_17, %gt3A_917 : vector<256x1xi32>
    %max3A_919 = arith.maximumf %select_n3A_874, %add3A_915 : vector<256x512xf32>
    %broadcast_in_dim3A_920 = vector.shape_cast %gt3A_918 : vector<256x1xi1> to vector<256x1xi1>
    %broadcast_in_dim3A_921 = vector.broadcast %broadcast_in_dim3A_920 : vector<256x1xi1> to vector<256x512xi1>
    %select_n3A_922 = arith.select %broadcast_in_dim3A_921, %max3A_919, %select_n3A_874 : vector<256x512xi1>, vector<256x512xf32>
    %slice3A_923 = vector.extract_strided_slice %get3A_2 {offsets = [0, 19, 0], sizes = [256, 1, 128], strides = [1, 1, 1]} : vector<256x20x128xf32> to vector<256x1x128xf32>
    %squeeze3A_924 = vector.shape_cast %slice3A_923 : vector<256x1x128xf32> to vector<256x128xf32>
    %convert_element_type3A_925 = arith.truncf %squeeze3A_924 : vector<256x128xf32> to vector<256x128xbf16>
    %dot_general3A_926 = arith.constant dense<0.000000e+00> : vector<256x1536xf32>
    %dot_general3A_927 = tpu.matmul %convert_element_type3A_925, %convert_element_type3A, %dot_general3A_926 {dimension_numbers = #tpu.dot_dimension_numbers<[1], [1], [0], [0], [0, 0, 1, 0], [], []>, transpose_lhs_hint = false} : vector<256x128xbf16>, vector<1536x128xbf16>, vector<256x1536xf32> -> vector<256x1536xf32>
    %add3A_928 = vector.broadcast %get3A_11 : vector<1x1536xf32> to vector<256x1536xf32>
    %add3A_929 = arith.addf %dot_general3A_927, %add3A_928 : vector<256x1536xf32>
    %convert_element_type3A_930 = arith.truncf %add3A_915 : vector<256x512xf32> to vector<256x512xbf16>
    %dot_general3A_931 = arith.constant dense<0.000000e+00> : vector<256x1536xf32>
    %dot_general3A_932 = tpu.matmul %convert_element_type3A_930, %convert_element_type3A_21, %dot_general3A_931 {dimension_numbers = #tpu.dot_dimension_numbers<[1], [1], [0], [0], [0, 0, 1, 0], [], []>, transpose_lhs_hint = false} : vector<256x512xbf16>, vector<1536x512xbf16>, vector<256x1536xf32> -> vector<256x1536xf32>
    %add3A_933 = vector.broadcast %get3A_14 : vector<1x1536xf32> to vector<256x1536xf32>
    %add3A_934 = arith.addf %dot_general3A_932, %add3A_933 : vector<256x1536xf32>
    %slice3A_935 = vector.extract_strided_slice %add3A_929 {offsets = [0, 0], sizes = [256, 512], strides = [1, 1]} : vector<256x1536xf32> to vector<256x512xf32>
    %slice3A_936 = vector.extract_strided_slice %add3A_934 {offsets = [0, 0], sizes = [256, 512], strides = [1, 1]} : vector<256x1536xf32> to vector<256x512xf32>
    %add3A_937 = arith.addf %slice3A_935, %slice3A_936 : vector<256x512xf32>
    %logistic3A_938 = arith.negf %add3A_937 : vector<256x512xf32>
    %logistic3A_939 = math.exp %logistic3A_938 : vector<256x512xf32>
    %logistic3A_940 = arith.constant 1.000000e+00 : f32
    %logistic3A_941 = vector.broadcast %logistic3A_940 : f32 to vector<256x512xf32>
    %logistic3A_942 = arith.addf %logistic3A_941, %logistic3A_939 : vector<256x512xf32>
    %logistic3A_943 = arith.divf %logistic3A_941, %logistic3A_942 : vector<256x512xf32>
    %slice3A_944 = vector.extract_strided_slice %add3A_929 {offsets = [0, 512], sizes = [256, 512], strides = [1, 1]} : vector<256x1536xf32> to vector<256x512xf32>
    %slice3A_945 = vector.extract_strided_slice %add3A_934 {offsets = [0, 512], sizes = [256, 512], strides = [1, 1]} : vector<256x1536xf32> to vector<256x512xf32>
    %add3A_946 = arith.addf %slice3A_944, %slice3A_945 : vector<256x512xf32>
    %logistic3A_947 = arith.negf %add3A_946 : vector<256x512xf32>
    %logistic3A_948 = math.exp %logistic3A_947 : vector<256x512xf32>
    %logistic3A_949 = arith.constant 1.000000e+00 : f32
    %logistic3A_950 = vector.broadcast %logistic3A_949 : f32 to vector<256x512xf32>
    %logistic3A_951 = arith.addf %logistic3A_950, %logistic3A_948 : vector<256x512xf32>
    %logistic3A_952 = arith.divf %logistic3A_950, %logistic3A_951 : vector<256x512xf32>
    %slice3A_953 = vector.extract_strided_slice %add3A_929 {offsets = [0, 1024], sizes = [256, 512], strides = [1, 1]} : vector<256x1536xf32> to vector<256x512xf32>
    %slice3A_954 = vector.extract_strided_slice %add3A_934 {offsets = [0, 1024], sizes = [256, 512], strides = [1, 1]} : vector<256x1536xf32> to vector<256x512xf32>
    %mul3A_955 = arith.mulf %logistic3A_943, %slice3A_954 : vector<256x512xf32>
    %add3A_956 = arith.addf %slice3A_953, %mul3A_955 : vector<256x512xf32>
    %tanh3A_957 = math.tanh %add3A_956 : vector<256x512xf32>
    %sub3A_958 = arith.constant 1.000000e+00 : f32
    %sub3A_959 = vector.broadcast %sub3A_958 : f32 to vector<256x512xf32>
    %sub3A_960 = arith.subf %sub3A_959, %logistic3A_952 : vector<256x512xf32>
    %mul3A_961 = arith.mulf %sub3A_960, %tanh3A_957 : vector<256x512xf32>
    %mul3A_962 = arith.mulf %logistic3A_952, %add3A_915 : vector<256x512xf32>
    %add3A_963 = arith.addf %mul3A_961, %mul3A_962 : vector<256x512xf32>
    %gt3A_964 = arith.constant 19 : i32
    %gt3A_965 = vector.broadcast %gt3A_964 : i32 to vector<256x1xi32>
    %gt3A_966 = arith.cmpi sgt, %get3A_17, %gt3A_965 : vector<256x1xi32>
    %max3A_967 = arith.maximumf %select_n3A_922, %add3A_963 : vector<256x512xf32>
    %broadcast_in_dim3A_968 = vector.shape_cast %gt3A_966 : vector<256x1xi1> to vector<256x1xi1>
    %broadcast_in_dim3A_969 = vector.broadcast %broadcast_in_dim3A_968 : vector<256x1xi1> to vector<256x512xi1>
    %select_n3A_970 = arith.select %broadcast_in_dim3A_969, %max3A_967, %select_n3A_922 : vector<256x512xi1>, vector<256x512xf32>
    %swap3A = arith.constant 0 : index
    %swap3A_971 = arith.constant 0 : index
    %swap3A_972 = vector.load %arg7[%swap3A, %swap3A_971] : memref<256x512xf32, #tpu.memory_space<vmem>>, vector<256x512xf32>
    tpu.vector_store %arg7[%swap3A, %swap3A_971], %select_n3A_970 {strides = array<i32>} : memref<256x512xf32, #tpu.memory_space<vmem>>, vector<256x512xf32>,
    return
  }
  func.func @transform_0(%arg0: i32) -> (i32, i32, i32) {
    %c0_i32 = arith.constant 0 : i32
    %c0_i32_0 = arith.constant 0 : i32
    %c0_i32_1 = arith.constant 0 : i32
    return %arg0, %c0_i32, %c0_i32_0 : i32, i32, i32
  }
  func.func @transform_1(%arg0: i32) -> (i32, i32) {
    %c0_i32 = arith.constant 0 : i32
    %c0_i32_0 = arith.constant 0 : i32
    return %arg0, %c0_i32 : i32, i32
  }
  func.func @transform_2(%arg0: i32) -> (i32, i32) {
    %c0_i32 = arith.constant 0 : i32
    %c0_i32_0 = arith.constant 0 : i32
    %c0_i32_1 = arith.constant 0 : i32
    return %c0_i32, %c0_i32_0 : i32, i32
  }
  func.func @transform_3(%arg0: i32) -> (i32, i32) {
    %c0_i32 = arith.constant 0 : i32
    %c0_i32_0 = arith.constant 0 : i32
    %c0_i32_1 = arith.constant 0 : i32
    return %c0_i32, %c0_i32_0 : i32, i32
  }
  func.func @transform_4(%arg0: i32) -> (i32, i32) {
    %c0_i32 = arith.constant 0 : i32
    %c0_i32_0 = arith.constant 0 : i32
    %c0_i32_1 = arith.constant 0 : i32
    return %c0_i32, %c0_i32_0 : i32, i32
  }
  func.func @transform_5(%arg0: i32) -> (i32, i32) {
    %c0_i32 = arith.constant 0 : i32
    %c0_i32_0 = arith.constant 0 : i32
    %c0_i32_1 = arith.constant 0 : i32
    return %c0_i32, %c0_i32_0 : i32, i32
  }
  func.func @transform_6(%arg0: i32) -> (i32, i32) {
    %c0_i32 = arith.constant 0 : i32
    %c0_i32_0 = arith.constant 0 : i32
    return %arg0, %c0_i32 : i32, i32
  }
}

</mosaic_0001>

<sc_bundles>
// kernel: kernel.4.cloned.1.call-start
scs
__scs_entry_jumppad:
0x0: {  	(pc) =	sbr.rel $0x88, $3  }
0x1: {  	(tag) =	ssettag $0x0;
	lr =	simm.s32 $0x1  }
0x2: {  	[smem:$0x3F9A] =	sst lr;
	_ =	strace $0xD0000000  }
0x3: {  	_ = 	snop  }
0x4: {  	_ = 	snop  }
0x5: {  	_ = 	snop  }
0x6: {  	_ = 	snop  }
0x7: {  	_ = 	snop  }
__scs_overlays_trampoline_lowered:
0x8: {  	[smem:$0x3FA9] =	sst s0  }
0x9: {  	[smem:$0x3FAA] =	sst s1  }
0xa: {  	[smem:$0x3FAB] =	sst s2  }
0xb: {  	[smem:$0x3FAC] =	sst s3  }
0xc: {  	[smem:$0x3FAD] =	sst s4  }
0xd: {  	[smem:$0x3FAE] =	sst s5  }
0xe: {  	[smem:$0x3FAF] =	sst s6  }
0xf: {  	[smem:$0x3FB0] =	sst s7  }
0x10: {  	[smem:$0x3FB1] =	sst s8  }
0x11: {  	[smem:$0x3FB2] =	sst s9;
	s0 =	simm.s32 @!p0 $0x0  }
0x12: {  	s1 =	sld [smem:$0x3F98];
	s0 =	simm.s32 @p0 $0x1  }
0x13: {  	[smem:$0x3FB3] =	sst s0;
	s0 =	simm.s32 @!p1 $0x0  }
0x14: {  	s2 =	sld [smem:$0x3F97];
	s0 =	simm.s32 @p1 $0x1  }
0x15: {  	[smem:$0x3FB4] =	sst s0;
	s0 =	simm.s32 @!p2 $0x0  }
0x16: {  	s3 =	sld [smem:$0x3FDB];
	s0 =	simm.s32 @p2 $0x1  }
0x17: {  	s4 =	simm.s32 $0x1BF5;
	[smem:$0x3FB6] =	sst s0  }
0x18: {  	s0 =	sld [smem:$0x3F99];
	_ =	swait.ge [sflag:s4], $0x0  }
0x19: {  	s7 =	sld [smem:$0x3F9A]  }
0x1a: {  	s8 =	sadd.s32 $0xFFFFE003, lr  }
0x1b: {  	s9 =	sadd.s32 $0xFFFFFEF7, lr;
	s5 =	simm.s32 $0xFFFFFFFF;
	p2 =	slt.u32 s8, $0xFFFFF086  }
0x1c: {  	p1 =	slt.u32 s9, $0xF7A;
	s5 =	simm.s32 @!p2 $0x0  }
0x1d: {  	s5 =	simm.s32 @p1 $0x1;
	p0 =	seq.s32 s7, s2  }
0x1e: {  	s7 =	smul.u32 @!p0 $0xF7A, s2;
	p2 =	seq.s32 @!p0 s5, $0x0  }
0x1f: {  	s9 =	smul.u32 $0xF7A, s1;
	s8 =	simm.s32 @!p0 $0x1BF5;
	p2 =	por !p2, p0  }
0x20: {  	[sflag:s8] =	ssyncset.s32 @!p0 $0xFFFFF086;
	s6 =	sadd.s32 @!p0 s3, s7;
	s7 =	simm.s32 @!p0 $0x108  }
0x21: {  	s3 =	sadd.s32 s3, s9;
	s6 =	sadd.s32 @!p0 $0x88, s6;
	s7 =	simm.s32 @p2 $0x1082  }
0x22: {  	[simem:s7], [sflag:s8] =	dma.local @!p0 [hbm:s6], $0xF7A  }
0x23: {  	s9 =	sor.u32 $0xD0000000, s2;
	s6 =	simm.s32 $0x108;
	_ =	swait.ge @!p0 [sflag:s8], $0x0  }
0x24: {  	s3 =	sadd.s32 $0x88, s3;
	s6 =	simm.s32 @!p1 $0x1082;
	[sflag:s4] =	ssyncset.s32 $0xFFFFF086  }
0x25: {  	[simem:s6], [sflag:s4] =	dma.local [hbm:s3], $0xF7A  }
0x26: {  	[smem:$0x3F9A] =	sst s1;
	(tag) =	ssettag s2;
	_ =	strace s9  }
0x27: {  	s1 =	sld [smem:$0x3FAA]  }
0x28: {  	s2 =	sld [smem:$0x3FAB]  }
0x29: {  	s4 =	sld [smem:$0x3FAD]  }
0x2a: {  	p0 =	seq.s32 s5, $0x0;
	s5 =	sld [smem:$0x3FAE]  }
0x2b: {  	s6 =	sld [smem:$0x3FAF]  }
0x2c: {  	s7 =	sld [smem:$0x3FB0]  }
0x2d: {  	s3 =	simm.s32 $0x108;
	s8 =	sld [smem:$0x3FB1]  }
0x2e: {  	s3 =	simm.s32 @!p0 $0x1082;
	s9 =	sld [smem:$0x3FB2]  }
0x2f: {  	lr =	sadd.s32 s0, s3;
	s0 =	sld [smem:$0x3FA9]  }
0x30: {  	s3 =	sld [smem:$0x3FAC]  }
0x31: {  	[smem:$0x3FB5] =	sst s10  }
0x32: {  	s10 =	sld [smem:$0x3FB3];
	_ =	sdelay $0x3  }
0x33: {  	p0 =	seq.s32 s10, $0x1;
	s10 =	sld [smem:$0x3FB5];
	_ =	sdelay $0x3  }
0x34: {  	[smem:$0x3FB5] =	sst s10  }
0x35: {  	s10 =	sld [smem:$0x3FB4];
	_ =	sdelay $0x3  }
0x36: {  	p1 =	seq.s32 s10, $0x1;
	s10 =	sld [smem:$0x3FB5];
	_ =	sdelay $0x3  }
0x37: {  	[smem:$0x3FB5] =	sst s10  }
0x38: {  	s10 =	sld [smem:$0x3FB6]  }
0x39: {  	_ = 	snop;
	(pc) =	sbr.ind lr, $3  }
0x3a: {  	_ = 	snop  }
0x3b: {  	_ = 	snop  }
0x3c: {  	p2 =	seq.s32 s10, $0x1;
	s10 =	sld [smem:$0x3FB5]  }
0x3d: {  	_ =	shalt  }
0x3e: {  	_ =	shalt  }
0x3f: {  	_ =	shalt  }
0x40: {  	_ =	shalt  }
0x41: {  	_ =	shalt  }
0x42: {  	_ =	shalt  }
0x43: {  	_ =	shalt  }
0x44: {  	_ =	shalt  }
0x45: {  	_ =	shalt  }
0x46: {  	_ =	shalt  }
0x47: {  	_ =	shalt  }
0x48: {  	_ =	shalt  }
0x49: {  	_ =	shalt  }
0x4a: {  	_ =	shalt  }
0x4b: {  	_ =	shalt  }
0x4c: {  	_ =	shalt  }
0x4d: {  	_ =	shalt  }
0x4e: {  	_ =	shalt  }
0x4f: {  	_ =	shalt  }
0x50: {  	_ =	shalt  }
0x51: {  	_ =	shalt  }
0x52: {  	_ =	shalt  }
0x53: {  	_ =	shalt  }
0x54: {  	_ =	shalt  }
0x55: {  	_ =	shalt  }
0x56: {  	_ =	shalt  }
0x57: {  	_ =	shalt  }
0x58: {  	_ =	shalt  }
0x59: {  	_ =	shalt  }
0x5a: {  	_ =	shalt  }
0x5b: {  	_ =	shalt  }
0x5c: {  	_ =	shalt  }
0x5d: {  	_ =	shalt  }
0x5e: {  	_ =	shalt  }
0x5f: {  	_ =	shalt  }
0x60: {  	_ =	shalt  }
0x61: {  	_ =	shalt  }
0x62: {  	_ =	shalt  }
0x63: {  	_ =	shalt  }
0x64: {  	_ =	shalt  }
0x65: {  	_ =	shalt  }
0x66: {  	_ =	shalt  }
0x67: {  	_ =	shalt  }
0x68: {  	_ =	shalt  }
0x69: {  	_ =	shalt  }
0x6a: {  	_ =	shalt  }
0x6b: {  	_ =	shalt  }
0x6c: {  	_ =	shalt  }
0x6d: {  	_ =	shalt  }
0x6e: {  	_ =	shalt  }
0x6f: {  	_ =	shalt  }
0x70: {  	_ =	shalt  }
0x71: {  	_ =	shalt  }
0x72: {  	_ =	shalt  }
0x73: {  	_ =	shalt  }
0x74: {  	_ =	shalt  }
0x75: {  	_ =	shalt  }
0x76: {  	_ =	shalt  }
0x77: {  	_ =	shalt  }
0x78: {  	_ =	shalt  }
0x79: {  	_ =	shalt  }
0x7a: {  	_ =	shalt  }
0x7b: {  	_ =	shalt  }
0x7c: {  	_ =	shalt  }
0x7d: {  	_ =	shalt  }
0x7e: {  	_ =	shalt  }
0x7f: {  	_ =	shalt  }
0x80: {  	_ =	shalt  }
0x81: {  	_ =	shalt  }
0x82: {  	_ =	shalt  }
0x83: {  	_ =	shalt  }
0x84: {  	_ =	shalt  }
0x85: {  	_ =	shalt  }
0x86: {  	_ =	shalt  }
0x87: {  	_ =	shalt  }
.Lfunc_end0:
.L_simem_size_0:
called_computation_lowered:
.L_overlay_start_0:
0x88: {  	s2 =	sld [smem:$0x3FD9]  }
0x89: {  	s3 =	sld [smem:$0x3FFE];
	_ =	sdelay $0x1  }
0x8a: {  	s1 =	srdreg.scid  }
0x8b: {  	s0 =	sand.u32 $0x1, s1  }
0x8c: {  	s15 =	sshll.u32 s0, $0xA;
	s2 =	sadd.s32 s3, s2  }
0x8d: {  	s2 =	sadd.s32 s2, s15  }
0x8e: {  	[smem:$0x3FC1] =	sst s2  }
0x8f: {  	_ = 	snop  }
0x90: {  	s2 =	sld [smem:$0x3FD0];
	_ =	sdelay $0x2  }
0x91: {  	s4 =	simm.s32 $0xA;
	s5 =	simm.s32 $0x10;
	s16 =	sld [smem:$0x3FC7]  }
0x92: {  	[smem:s5], [sflag:s4] =	dma.local [hbm:s2], $0x1  }
0x93: {  	_ =	swait.eq [sflag:s4], $0x1  }
0x94: {  	[sflag:s4] =	ssyncset.done $0x0  }
0x95: {  	s17 =	sld [smem:$0x10];
	[sflag:s4] =	ssyncadd.s32 $0xFFFFFFFF  }
0x96: {  	s18 =	sld [smem:$0x11];
	(tm) =	ssettm $0x1  }
0x97: {  	s19 =	sld [smem:$0x3FFB];
	_ =	sdelay $0x3  }
0x98: {  	_ =	strace s19  }
0x99: {  	s5 =	sld [smem:$0x3FFC];
	_ =	sdelay $0x3  }
0x9a: {  	_ =	strace s5  }
0x9b: {  	s5 =	sld [smem:$0x3FFD];
	_ =	sdelay $0x3  }
0x9c: {  	_ =	strace s5  }
0x9d: {  	_ =	strace $0x8FFFFFFF  }
0x9e: {  	s20 =	sld [smem:$0x3FDB];
	_ =	sdelay $0x1  }
0x9f: {  	s6 =	simm.s32 $_scs_section_size  }
0xa0: {  	s7 =	simm.s32 $_size__tile_overlayer_lowered;
	s8 =	simm.s32 $_tile_overlayer_lowered  }
0xa1: {  	s23 =	simm.s32 $0x1BFF;
	s22 =	sshll.u32 s8, $0x1;
	s5 =	sadd.s32 s6, s20  }
0xa2: {  	s9 =	simm.s32 $0x0;
	s21 =	sshll.u32 s7, $0x1;
	s7 =	sadd.s32 s22, s5  }
0xa3: {  	[timem:s9], [sflag:s23] =	dma.local [hbm:s7], s21  }
0xa4: {  	_ =	swait.ge [sflag:s23], s21  }
0xa5: {  	s6 =	ssub.s32 $0x0, s21;
	[sflag:s23] =	ssyncset.done $0x0  }
0xa6: {  	[sflag:s23] =	ssyncadd.s32 s6;
	_ =	sdelay $0x1  }
0xa7: {  	s24 =	simm.s32 $0x1B8B  }
0xa8: {  	_ =	swait.ge [sflag:s24], $0x1  }
0xa9: {  	[sflag:s24] =	ssyncset.done $0x0  }
0xaa: {  	s25 =	simm.s32 $0x1B8E;
	[sflag:s24] =	ssyncadd.s32 $0xFFFFFFFF  }
0xab: {  	s26 =	simm.s32 $execute0_lowered;
	[smem:$0x3FD2] =	sst s25  }
0xac: {  	s6 =	sshll.u32 s26, $0x1;
	_ =	strace $0x80000046;
	[dreg:$0x1] =	wrdreg $0xFFFFFFFF  }
0xad: {  	s28 =	simm.s32 $_size_execute0_lowered;
	s5 =	sadd.s32 s5, s6;
	[dreg:$0x0] =	wrdreg $0x0  }
0xae: {  	s6 =	sshll.u32 s28, $0x1;
	[dreg:$0x2] =	wrdreg s5  }
0xaf: {  	[dreg:$0x3] =	wrdreg s6  }
0xb0: {  	[dreg:$0x4] =	wrdreg $0xC0  }
0xb1: {  	_ =	task [dreg:s9], $0x5FFFF  }
0xb2: {  	[dreg:$0x1] =	wrdreg $0xFFFFFFFF  }
0xb3: {  	[dreg:$0x0] =	wrdreg $0x60  }
0xb4: {  	[dreg:$0x2] =	wrdreg s17  }
0xb5: {  	[dreg:$0x3] =	wrdreg s16  }
0xb6: {  	[dreg:$0x4] =	wrdreg s18  }
0xb7: {  	[dreg:$0x5] =	wrdreg $0x9  }
0xb8: {  	_ =	task.clear_ibuf [dreg:s9], $0x6FFFF;
	_ =	strace $0x90000046  }
0xb9: {  	s29 =	simm.s32 $0x9;
	_ =	strace $0x80000048  }
0xba: {  	_ =	swait.ge [sflag:s29], $0x1  }
0xbb: {  	[sflag:s29] =	ssyncadd.s32 $0xFFFFFFFF  }
0xbc: {  	_ =	strace $0x90000048  }
0xbd: {  	_ =	sfence  }
0xbe: {  	s30 =	sld [smem:$0x0];
	_ =	sdelay $0x2  }
0xbf: {  	s31 =	sshll.u32 s1, $0xD;
	s1 =	sshrl.u32 s1, $0x2  }
0xc0: {  	s3 =	sand.u32 $0x4000, s31;
	s1 =	sadd.s32 s1, s30  }
0xc1: {  	s0 =	sor.u32 s3, s0;
	s1 =	sshll.u32 s1, $0x11  }
0xc2: {  	s0 =	sor.u32 s1, s0  }
0xc3: {  	s0 =	sadd.s32 $0x8F2B, s0  }
0xc4: {  	[sflag:s0] =	ssyncadd.remote.s32 $0x1  }
0xc5: {  	_ =	sfence.sel $0xFFFF  }
0xc6: {  	[dreg:$0x0] =	wrdreg $0xFFFFFFFF;
	(pc) =	sbr.abs _section_cstart, $3  }
0xc7: {  	[dreg:$0x1] =	wrdreg $0xFFFFFFFF  }
0xc8: {  	_ =	task.clear_ibuf [dreg:s9], $0x2FFFF;
	_ =	strace $0x9FFFFFFF  }
0xc9: {  	(tm) =	ssettm $0x7FFFFFFF  }
tec
execute0_lowered:
.L_overlay_start_1:
0x0: {  	(tag) =	ssettag $0x1  }
0x1: {  	s4 =	rddreg [dreg:$0x0]  }
0x2: {  	s1 =	srdreg.scid;
	s0 =	stileid.u32  }
0x3: {  	s2 =	rddreg [dreg:$0x1];
	s16 =	sand.u32 $0x1, s1;
	s30 =	sshll.u32 s0, $0x1  }
0x4: {  	s17 =	rddreg [dreg:$0x2];
	s18 =	sor.u32 s16, s30  }
0x5: {  	s3 =	simm.s32 $0x0;
	s1 =	rddreg [dreg:$0x3];
	s5 =	smul.u32 $0x50, s18  }
0x6: {  	[smem:$0x7FF] =	sst s3  }
0x7: {  	_ =	strace $0x80000047;
	s5 =	sadd.s32 s4, s5;
	s4 =	simm.s32 $0x2  }
0x8: {  	[tilespmem:s3], [sflag:$0x2] =	stream.linear.gather [hbm4b:s5+s3], $0x280, $0x38;
	[tilespmem:$0x14280] =	vst v63  }
0x9: {  	_ =	swait.ge [sflag:s4], $0x280  }
0xa: {  	[sflag:s4] =	ssyncset.done $0x0  }
0xb: {  	s6 =	simm.s32 $0x80;
	s7 =	simm.s32 $0x280;
	[sflag:s4] =	ssyncadd.s32 $0xFFFFFD80  }
0xc: {  	[tilespmem:s7], [sflag:$0x1] =	stream.indirect.gather [hbm4b:s2+s6], $0x80, s3, s6, $0xb8;
	[tilespmem:$0x14280] =	vst v63  }
0xd: {  	s8 =	simm.s32 $0x4280  }
0xe: {  	[tilespmem:s8], [sflag:$0x1] =	stream.indirect.gather [hbm4b:s2+s6], $0x80, s6, s6, $0xb8;
	[tilespmem:$0x14280] =	vst v63  }
0xf: {  	s9 =	simm.s32 $0x100;
	s10 =	simm.s32 $0x8280  }
0x10: {  	[tilespmem:s10], [sflag:$0x1] =	stream.indirect.gather [hbm4b:s2+s6], $0x80, s9, s6, $0xb8;
	[tilespmem:$0x14280] =	vst v63  }
0x11: {  	s11 =	simm.s32 $0x180;
	s12 =	simm.s32 $0xC280  }
0x12: {  	[tilespmem:s12], [sflag:$0x1] =	stream.indirect.gather [hbm4b:s2+s6], $0x80, s11, s6, $0xb8;
	[tilespmem:$0x14280] =	vst v63  }
0x13: {  	s13 =	simm.s32 $0x200;
	s14 =	simm.s32 $0x10280;
	s15 =	simm.s32 $0x1  }
0x14: {  	[tilespmem:s14], [sflag:$0x1] =	stream.indirect.gather [hbm4b:s2+s6], $0x80, s13, s6, $0xb8;
	[tilespmem:$0x14280] =	vst v63  }
0x15: {  	_ =	swait.ge [sflag:s15], $0x4000  }
0x16: {  	[sflag:s15] =	ssyncset.done $0x0  }
0x17: {  	[sflag:s15] =	ssyncadd.s32 $0xFFFFC000  }
0x18: {  	_ =	swait.ge [sflag:s15], $0x4000  }
0x19: {  	[sflag:s15] =	ssyncset.done $0x0  }
0x1a: {  	[sflag:s15] =	ssyncadd.s32 $0xFFFFC000  }
0x1b: {  	_ =	swait.ge [sflag:s15], $0x4000  }
0x1c: {  	[sflag:s15] =	ssyncset.done $0x0  }
0x1d: {  	s16 =	ssub.s32 $0x2, s16;
	[sflag:s15] =	ssyncadd.s32 $0xFFFFC000  }
0x1e: {  	s19 =	sshrl.u32 s16, $0x1;
	_ =	swait.ge [sflag:s15], $0x4000  }
0x1f: {  	s19 =	ssub.s32 s16, s19;
	[sflag:s15] =	ssyncset.done $0x0  }
0x20: {  	s31 =	smax.u32 s19, $0x1;
	[sflag:s15] =	ssyncadd.s32 $0xFFFFC000  }
0x21: {  	s18 =	smul.u32 $0x2800, s18;
	p0 =	sne.s32 s31, $0x1;
	_ =	swait.ge [sflag:s15], $0x4000  }
.Ltmp0:
0x22: {  	[sflag:s15] =	ssyncset.done $0x0;
	(pc) =	sbr.rel @!p0 .LBB2_2-.Ltmp0, $4  }
0x23: {  	s16 =	sadd.s32 s17, s18;
	[sflag:s15] =	ssyncadd.s32 $0xFFFFC000  }
0x24: {  	[hbm4b:s16+s3] =	stream.linear.scatter [tilespmem:s7], [sflag:$0x2], $0x14000, $0x38;
	[tilespmem:$0x14280] =	vst v63  }
0x25: {  	_ =	swait.ge [sflag:s4], $0x14000  }
0x26: {  	s17 =	sadd.s32 $0xFFFFFFFF, s31;
	[sflag:s4] =	ssyncset.done $0x0  }
.LBB2_1:
0x27: {  	p0 =	sne.s32 s17, $0x1;
	s17 =	sadd.s32 $0xFFFFFFFF, s17;
	[sflag:s4] =	ssyncadd.s32 $0xFFFEC000  }
0x28: {  	[tilespmem:s3], [sflag:$0x2] =	stream.linear.gather [hbm4b:s5+s3], $0x280, $0x38;
	[tilespmem:$0x14280] =	vst v63  }
0x29: {  	_ =	swait.ge [sflag:s4], $0x280  }
0x2a: {  	[sflag:s4] =	ssyncset.done $0x0  }
0x2b: {  	[sflag:s4] =	ssyncadd.s32 $0xFFFFFD80  }
0x2c: {  	[tilespmem:s7], [sflag:$0x1] =	stream.indirect.gather [hbm4b:s2+s6], $0x80, s3, s6, $0xb8;
	[tilespmem:$0x14280] =	vst v63  }
0x2d: {  	_ = 	snop  }
0x2e: {  	[tilespmem:s8], [sflag:$0x1] =	stream.indirect.gather [hbm4b:s2+s6], $0x80, s6, s6, $0xb8;
	[tilespmem:$0x14280] =	vst v63  }
0x2f: {  	_ = 	snop  }
0x30: {  	[tilespmem:s10], [sflag:$0x1] =	stream.indirect.gather [hbm4b:s2+s6], $0x80, s9, s6, $0xb8;
	[tilespmem:$0x14280] =	vst v63  }
0x31: {  	_ = 	snop  }
0x32: {  	[tilespmem:s12], [sflag:$0x1] =	stream.indirect.gather [hbm4b:s2+s6], $0x80, s11, s6, $0xb8;
	[tilespmem:$0x14280] =	vst v63  }
0x33: {  	_ = 	snop  }
0x34: {  	[tilespmem:s14], [sflag:$0x1] =	stream.indirect.gather [hbm4b:s2+s6], $0x80, s13, s6, $0xb8;
	[tilespmem:$0x14280] =	vst v63  }
0x35: {  	_ =	swait.ge [sflag:s15], $0x4000  }
0x36: {  	[sflag:s15] =	ssyncset.done $0x0  }
0x37: {  	[sflag:s15] =	ssyncadd.s32 $0xFFFFC000  }
0x38: {  	_ =	swait.ge [sflag:s15], $0x4000  }
0x39: {  	[sflag:s15] =	ssyncset.done $0x0  }
0x3a: {  	[sflag:s15] =	ssyncadd.s32 $0xFFFFC000  }
0x3b: {  	_ =	swait.ge [sflag:s15], $0x4000  }
0x3c: {  	[sflag:s15] =	ssyncset.done $0x0  }
0x3d: {  	[sflag:s15] =	ssyncadd.s32 $0xFFFFC000  }
0x3e: {  	_ =	swait.ge [sflag:s15], $0x4000  }
0x3f: {  	[sflag:s15] =	ssyncset.done $0x0  }
0x40: {  	[sflag:s15] =	ssyncadd.s32 $0xFFFFC000  }
0x41: {  	_ =	swait.ge [sflag:s15], $0x4000  }
.Ltmp1:
0x42: {  	[sflag:s15] =	ssyncset.done $0x0;
	(pc) =	sbr.rel @p0 .LBB2_1-.Ltmp1, $4  }
0x43: {  	[sflag:s15] =	ssyncadd.s32 $0xFFFFC000  }
0x44: {  	[hbm4b:s16+s3] =	stream.linear.scatter [tilespmem:s7], [sflag:$0x2], $0x14000, $0x38;
	[tilespmem:$0x14280] =	vst v63  }
0x45: {  	_ =	swait.ge [sflag:s4], $0x14000  }
0x46: {  	[sflag:s4] =	ssyncset.done $0x0  }
.LBB2_2:
0x47: {  	[sflag:s4] =	ssyncadd.s32 $0xFFFEC000  }
0x48: {  	_ =	sfence.sel $0x180000  }
0x49: {  	[bflag:$0x0] =	sbarrier.arrive $0xFFFF  }
0x4a: {  	p0 =	sne.s32 s0, $0x0;
	_ =	strace $0x90000047  }
0x4b: {  	s0 =	sadd.s32 @!p0 $0x100000, s1;
	[bflag:$0x2] =	sbarrier.arrive $0xFFFF  }
0x4c: {  	[sflag:s0] =	ssyncadd.tile.s32 @!p0 $0x1;
	_ =	shalt  }
.Lfunc_end2:
_tile_overlayer_lowered:
.L_overlay_start_2:
0x4d: {  	(tag) =	ssettag $0x2  }
0x4e: {  	s0 =	rddreg [dreg:$0x0];
	s2 =	stileid.u32  }
0x4f: {  	s1 =	rddreg [dreg:$0x1];
	p0 =	sne.s32 s2, $0x0  }
0x50: {  	s3 =	rddreg [dreg:$0x2];
	[bflag:$0x3] =	sbarrier.arrive $0xFFFF;
	s2 =	simm.s32 @!p0 $0x1C02  }
0x51: {  	[timem:s3], [sflag:s2] =	dma.local @!p0 [hbm:s0], s1  }
0x52: {  	s0 =	simm.s32 @!p0 $0x2  }
0x53: {  	_ =	swait.ge @!p0 [sflag:s0], s1  }
0x54: {  	s1 =	ssub.s32 @!p0 $0x0, s1;
	[sflag:s0] =	ssyncset.done @!p0 $0x0  }
0x55: {  	[sflag:s0] =	ssyncadd.s32 @!p0 s1  }
0x56: {  	[bflag:$0x3] =	sbarrier.arrive $0xFFFF  }
0x57: {  	_ =	shalt  }

</sc_bundles>
